<compile_context>
chip_gen: v7x
topology: tpu7x:2x2x1
jax: 0.10.2.dev20260603
libtpu: 0.0.44.dev20260713+nightly
codegen_flags: <defaults>
</compile_context>

<pallas_src>
import functools

import jax
import jax.numpy as jnp
from jax import lax
from jax.experimental import pallas as pl
from jax.experimental.pallas import tpu as pltpu
from jax.experimental.pallas import tpu_sc as plsc

_B = 16
_MAXLEN = 4096
_NX = 64
_TOTAL = 34832
_ROWS_BLK = 4976
_GRID = 7
_CU = [i * (128 * i + 129) for i in range(_B + 1)]
_CHUNK = 256
_CHUNK_EL = _CHUNK * _NX
_TPAD = 4104


def _stats_body(flat_ref, nxt_ref, t_ref, stats_ref, tstats_ref):
    i = pl.program_id(0)
    cur = flat_ref[...]
    nxt = nxt_ref[...]
    shifted = jnp.concatenate([cur[1:], nxt[0:1]], axis=0)

    r = i * _ROWS_BLK + lax.broadcasted_iota(jnp.int32, (_ROWS_BLK, 1), 0)
    m_last = functools.reduce(
        jnp.logical_or, [r == (_CU[k + 1] - 1) for k in range(_B)])
    m_first = functools.reduce(
        jnp.logical_or, [r == _CU[k] for k in range(_B)])
    mx = 1.0 - m_last.astype(jnp.float32)
    my = 1.0 - m_first.astype(jnp.float32)

    d = (cur - shifted) * mx
    sx = jnp.sum(cur * mx, axis=0, keepdims=True)
    sxx = jnp.sum(cur * cur * mx, axis=0, keepdims=True)
    sy = jnp.sum(cur * my, axis=0, keepdims=True)
    syy = jnp.sum(cur * cur * my, axis=0, keepdims=True)
    sd = jnp.sum(d, axis=0, keepdims=True)
    sdd = jnp.sum(d * d, axis=0, keepdims=True)
    z = jnp.zeros((2, _NX), jnp.float32)
    part = jnp.concatenate([sx, sxx, sy, syy, sd, sdd, z], axis=0)

    @pl.when(i == 0)
    def _():
        stats_ref[...] = part
        tb = t_ref[...]
        st = jnp.sum(tb, keepdims=True).reshape(1, 1)
        stt = jnp.sum(tb * tb, keepdims=True).reshape(1, 1)
        tstats_ref[...] = jnp.concatenate([st, stt], axis=1)

    @pl.when(i > 0)
    def _():
        stats_ref[...] += part


def _tx_body(flat_ref, nxt_ref, coef_ref, ux_ref, uy_ref, xt_ref, yt_ref):
    i = pl.program_id(0)
    cur = flat_ref[...]
    nxt = nxt_ref[...]
    shifted = jnp.concatenate([cur[1:], nxt[0:1]], axis=0)
    ax = coef_ref[0:1, :]
    bx = coef_ref[1:2, :]
    ay = coef_ref[2:3, :]
    by = coef_ref[3:4, :]
    ux_ref[...] = cur * ax + bx
    lane = lax.broadcasted_iota(jnp.int32, (_ROWS_BLK, _NX), 1)
    w = jnp.where(lane < 3, cur - shifted, shifted)
    uy_ref[...] = w * ay + by

    @pl.when(i == 0)
    def _():
        xt_ref[...] = jnp.broadcast_to(bx, (_CHUNK, _NX))
        yt_ref[...] = jnp.broadcast_to(by, (_CHUNK, _NX))


def _sc_body(ux, uy, xtile, ytile, t1, tcoef,
             xo, yo, to, buf, padbuf, tin, tout, tcv):
    cid = lax.axis_index("c")
    sid = lax.axis_index("s")
    wid = sid * 2 + cid
    i = wid // 2
    which = wid % 2
    base = i * (128 * i + 129) * _NX
    dst0 = i * _MAXLEN * _NX
    nb = i + 1

    def copy_stream(src_hbm, tile_hbm, out_hbm):
        pltpu.sync_copy(tile_hbm, padbuf)

        def bk(k, carry):
            @pl.when(k < nb)
            def _():
                pltpu.sync_copy(src_hbm.at[pl.ds(base + k * _CHUNK_EL,
                                                 _CHUNK_EL)], buf)
                pltpu.sync_copy(buf, out_hbm.at[pl.ds(dst0 + k * _CHUNK_EL,
                                                      _CHUNK_EL)])

            @pl.when(k >= nb)
            def _():
                pltpu.sync_copy(padbuf, out_hbm.at[pl.ds(dst0 + k * _CHUNK_EL,
                                                         _CHUNK_EL)])
            return carry

        lax.fori_loop(0, _MAXLEN // _CHUNK, bk, 0)

    @pl.when(which == 0)
    def _():
        copy_stream(ux, xtile, xo)
        pltpu.sync_copy(tcoef, tcv)
        s_rows = i * (128 * i + 129)
        s0 = (s_rows // 8) * 8
        extra = s_rows - s0
        pltpu.sync_copy(t1.at[pl.ds(s0, 4112)], tin)
        at = tcv[pl.ds(0, 16)]
        bt = tcv[pl.ds(16, 16)]
        lane = lax.iota(jnp.int32, 16)
        seq_l = 256 * nb

        def tk(c, carry):
            pos = c * 16 + lane
            v = tin[pl.ds(extra + c * 16, 16)]
            res = jnp.where(pos <= seq_l, v * at + bt, bt)
            tout[pl.ds(c * 16, 16)] = res
            return carry

        lax.fori_loop(0, _TPAD // 16 + 1, tk, 0)
        pltpu.sync_copy(tout.at[pl.ds(0, _TPAD)],
                        to.at[pl.ds(i * _TPAD, _TPAD)])

    @pl.when(which == 1)
    def _():
        copy_stream(uy, ytile, yo)


def _affine(s1, s2, n):
    mean = s1 / n
    var = (s2 - s1 * s1 / n) / (n - 1.0)
    scale = jnp.sqrt(var)
    return 1.0 / scale, -mean / scale


def kernel(flat_trees, flat_t, cu_seqlens):
    flat = flat_trees.astype(jnp.float32)
    t2 = jnp.reshape(flat_t.astype(jnp.float32), (8, _TOTAL // 8))

    stats, tstats = pl.pallas_call(
        _stats_body,
        grid=(_GRID,),
        in_specs=[
            pl.BlockSpec((_ROWS_BLK, _NX), lambda i: (i, 0)),
            pl.BlockSpec((_ROWS_BLK, _NX), lambda i: (jnp.minimum(i + 1, _GRID - 1), 0)),
            pl.BlockSpec((8, _TOTAL // 8), lambda i: (0, 0)),
        ],
        out_specs=[
            pl.BlockSpec((8, _NX), lambda i: (0, 0)),
            pl.BlockSpec((1, 2), lambda i: (0, 0)),
        ],
        out_shape=[
            jax.ShapeDtypeStruct((8, _NX), jnp.float32),
            jax.ShapeDtypeStruct((1, 2), jnp.float32),
        ],
    )(flat, flat, t2)

    n = float(_B * _MAXLEN)
    feat = jnp.arange(_NX)
    sy_e = jnp.where(feat < 3, stats[4], stats[2])
    syy_e = jnp.where(feat < 3, stats[5], stats[3])
    ax, bx = _affine(stats[0], stats[1], n)
    ay, by = _affine(sy_e, syy_e, n)
    at, bt = _affine(tstats[0, 0], tstats[0, 1], float(_B * (_MAXLEN + 1)))
    coef = jnp.concatenate(
        [jnp.stack([ax, bx, ay, by], axis=0), jnp.zeros((4, _NX), jnp.float32)],
        axis=0)
    tcoef = jnp.concatenate([jnp.full((16,), at), jnp.full((16,), bt)])

    ux, uy, xtile, ytile = pl.pallas_call(
        _tx_body,
        grid=(_GRID,),
        in_specs=[
            pl.BlockSpec((_ROWS_BLK, _NX), lambda i: (i, 0)),
            pl.BlockSpec((_ROWS_BLK, _NX), lambda i: (jnp.minimum(i + 1, _GRID - 1), 0)),
            pl.BlockSpec((8, _NX), lambda i: (0, 0)),
        ],
        out_specs=[
            pl.BlockSpec((_ROWS_BLK, _NX), lambda i: (i, 0)),
            pl.BlockSpec((_ROWS_BLK, _NX), lambda i: (i, 0)),
            pl.BlockSpec((_CHUNK, _NX), lambda i: (0, 0)),
            pl.BlockSpec((_CHUNK, _NX), lambda i: (0, 0)),
        ],
        out_shape=[
            jax.ShapeDtypeStruct((_TOTAL, _NX), jnp.float32),
            jax.ShapeDtypeStruct((_TOTAL, _NX), jnp.float32),
            jax.ShapeDtypeStruct((_CHUNK, _NX), jnp.float32),
            jax.ShapeDtypeStruct((_CHUNK, _NX), jnp.float32),
        ],
    )(flat, flat, coef)
    ux = ux.reshape(-1)
    uy = uy.reshape(-1)
    xtile = xtile.reshape(-1)
    ytile = ytile.reshape(-1)

    t1 = jnp.concatenate([flat_t.reshape(-1).astype(jnp.float32),
                          jnp.zeros((16,), jnp.float32)])

    mesh = plsc.VectorSubcoreMesh(core_axis_name="c", subcore_axis_name="s")
    x1, y1, tpad = pl.kernel(
        _sc_body,
        mesh=mesh,
        out_type=[
            jax.ShapeDtypeStruct((_B * _MAXLEN * _NX,), jnp.float32),
            jax.ShapeDtypeStruct((_B * _MAXLEN * _NX,), jnp.float32),
            jax.ShapeDtypeStruct((_B * _TPAD,), jnp.float32),
        ],
        scratch_types=[
            pltpu.VMEM((_CHUNK_EL,), jnp.float32),
            pltpu.VMEM((_CHUNK_EL,), jnp.float32),
            pltpu.VMEM((4112,), jnp.float32),
            pltpu.VMEM((_TPAD + 16,), jnp.float32),
            pltpu.VMEM((32,), jnp.float32),
        ],
    )(ux, uy, xtile, ytile, t1, tcoef)

    x_p = x1.reshape(_B, _MAXLEN, _NX)
    y_p = y1.reshape(_B, _MAXLEN, _NX)
    t_p = tpad.reshape(_B, _TPAD)[:, :_MAXLEN + 1].reshape(_B, _MAXLEN + 1, 1)

    seq = cu_seqlens[1:] - cu_seqlens[:-1] - 1
    seq_len = jnp.asarray(seq, dtype=jnp.int64)
    mask = jnp.arange(_MAXLEN, dtype=jnp.int32)[None, :] < seq[:, None]
    return (x_p, y_p, t_p, seq_len, mask)

# --- scband reference (transcript-rebuilt; emitter-appended) ---
"""Pipeline reference for scband-preprocess-13640816132813 (READ-ONLY COPY).

The authoritative reference and input builder live on the scoring server;
editing this copy changes nothing except your own understanding.
"""

import jax, jax.numpy as jnp
import numpy as np

B = 16
SEQ_LENS = np.array([256 * (i + 1) for i in range(B)], dtype=np.int64)
TREE_LENS = SEQ_LENS + 1
CU = np.concatenate([np.zeros(1, dtype=np.int64), np.cumsum(TREE_LENS)]).astype(np.int32)
NX = 64
NT = 1
SUB_DIM = [0, 1, 2]


def setup_inputs(seed: int = 0) -> dict:
    key = jax.random.key(seed)
    k1, k2 = jax.random.split(key)
    total = int(CU[-1])
    flat_trees = jax.random.normal(k1, (total, NX), dtype=jnp.float32)
    flat_t = jax.random.normal(k2, (total, NT), dtype=jnp.float32)
    cu_seqlens = jnp.asarray(CU, dtype=jnp.int32)
    return {"flat_trees": flat_trees, "flat_t": flat_t, "cu_seqlens": cu_seqlens}


def _pad_and_scale(flat_trees, flat_t, cu):
    # cu is a concrete numpy array of cumulative tree lengths (each tree has seq_len+1 rows)
    Bn = cu.shape[0] - 1
    seq_len = (cu[1:] - cu[:-1]) - 1
    max_len = int(seq_len.max())
    nx = flat_trees.shape[1]
    nt = flat_t.shape[1]
    x_p = jnp.zeros((Bn, max_len, nx), dtype=jnp.float32)
    y_p = jnp.zeros((Bn, max_len, nx), dtype=jnp.float32)
    t_p = jnp.zeros((Bn, max_len + 1, nt), dtype=jnp.float32)
    mask = np.zeros((Bn, max_len), dtype=bool)
    for i in range(Bn):
        s = int(cu[i]); e = int(cu[i + 1]); L = e - s - 1
        tree = flat_trees[s:e]
        x_p = x_p.at[i, :L].set(tree[:-1])   # x = tree[:-1]
        y_p = y_p.at[i, :L].set(tree[1:])    # y = tree[1:]
        t_p = t_p.at[i, :L + 1].set(flat_t[s:e])
        mask[i, :L] = True
    sub = jnp.asarray(SUB_DIM, dtype=jnp.int32)
    # y[..., sub_dim] = x[..., sub_dim] - y[..., sub_dim]
    y_p = y_p.at[..., sub].set(x_p[..., sub] - y_p[..., sub])

    def fit_transform(d):
        # StandardScaler.fit with dim=[0,1]; torch.std is unbiased (ddof=1)
        loc = jnp.mean(d, axis=(0, 1))
        scale = jnp.std(d, axis=(0, 1), ddof=1)
        return (d - loc) / scale

    return fit_transform(x_p), fit_transform(y_p), fit_transform(t_p), seq_len, mask


def reference(flat_trees, flat_t, cu_seqlens):
    x_p, y_p, t_p, _, mask = _pad_and_scale(flat_trees, flat_t, CU)
    seq_len = (cu_seqlens[1:] - cu_seqlens[:-1]) - 1
    return (x_p, y_p, t_p, jnp.asarray(seq_len, dtype=jnp.int64), jnp.asarray(mask))

if __name__ == "__main__":
    import jax
    _d = setup_inputs()
    print(jax.jit(kernel)(*tuple(_d.values())))

</pallas_src>

<mosaic_0001>
#map = affine_map<(d0, d1) -> (0)>
module attributes {stable_mosaic.version = 14 : i64} {
  func.func @_sc_body(%arg0: i32, %arg1: i32, %arg2: memref<2229248xf32, #tpu.memory_space<hbm>>, %arg3: memref<2229248xf32, #tpu.memory_space<hbm>>, %arg4: memref<16384xf32, #tpu.memory_space<hbm>>, %arg5: memref<16384xf32, #tpu.memory_space<hbm>>, %arg6: memref<34848xf32, #tpu.memory_space<hbm>>, %arg7: memref<32xf32, #tpu.memory_space<hbm>>, %arg8: memref<4194304xf32, #tpu.memory_space<hbm>>, %arg9: memref<4194304xf32, #tpu.memory_space<hbm>>, %arg10: memref<65664xf32, #tpu.memory_space<hbm>>, %arg11: memref<16384xf32, #tpu.memory_space<vmem>>, %arg12: memref<16384xf32, #tpu.memory_space<vmem>>, %arg13: memref<4112xf32, #tpu.memory_space<vmem>>, %arg14: memref<4120xf32, #tpu.memory_space<vmem>>, %arg15: memref<32xf32, #tpu.memory_space<vmem>>) attributes {dimension_semantics = [#tpu.dimension_semantics<core_parallel>, #tpu.dimension_semantics<subcore_parallel>], iteration_bounds = array<i64: 2, 16>, scalar_prefetch = 0 : i64, scratch_operands = 5 : i64, tpu.core_type = #tpu.core_type<sc_vector_subcore>, window_params = [{transform_indices = #map}, {transform_indices = #map}, {transform_indices = #map}, {transform_indices = #map}, {transform_indices = #map}, {transform_indices = #map}, {transform_indices = #map}, {transform_indices = #map}, {transform_indices = #map}]} {
    %mul3A = arith.constant 2 : i32
    %mul3A_0 = arith.muli %arg1, %mul3A : i32
    %add3A = arith.addi %mul3A_0, %arg0 : i32
    %jit3A = arith.constant 2 : i32
    %div3A = arith.divsi %add3A, %jit3A : i32
    %sign3A = arith.constant 0 : i32
    %sign3A_1 = arith.cmpi sgt, %add3A, %sign3A : i32
    %sign3A_2 = arith.extui %sign3A_1 : i1 to i32
    %sign3A_3 = arith.constant 0 : i32
    %sign3A_4 = arith.cmpi slt, %add3A, %sign3A_3 : i32
    %sign3A_5 = arith.extui %sign3A_4 : i1 to i32
    %sign3A_6 = arith.subi %sign3A_2, %sign3A_5 : i32
    %sign3A_7 = arith.constant 0 : i32
    %sign3A_8 = arith.cmpi sgt, %jit3A, %sign3A_7 : i32
    %sign3A_9 = arith.extui %sign3A_8 : i1 to i32
    %sign3A_10 = arith.constant 0 : i32
    %sign3A_11 = arith.cmpi slt, %jit3A, %sign3A_10 : i32
    %sign3A_12 = arith.extui %sign3A_11 : i1 to i32
    %sign3A_13 = arith.subi %sign3A_9, %sign3A_12 : i32
    %ne3A = arith.cmpi ne, %sign3A_6, %sign3A_13 : i32
    %rem3A = arith.remsi %add3A, %jit3A : i32
    %ne3A_14 = arith.constant 0 : i32
    %ne3A_15 = arith.cmpi ne, %rem3A, %ne3A_14 : i32
    %and3A = arith.andi %ne3A, %ne3A_15 : i1
    %sub3A = arith.constant 1 : i32
    %sub3A_16 = arith.subi %div3A, %sub3A : i32
    %select_n3A = arith.select %and3A, %sub3A_16, %div3A : i32
    %jit3A_17 = arith.constant 2 : i32
    %eq3A = arith.constant 0 : i32
    %eq3A_18 = arith.cmpi eq, %jit3A_17, %eq3A : i32
    %jit3A_19 = arith.constant 1 : i32
    %select_n3A_20 = arith.select %eq3A_18, %jit3A_19, %jit3A_17 : i32
    %rem3A_21 = arith.remsi %add3A, %select_n3A_20 : i32
    %ne3A_22 = arith.constant 0 : i32
    %ne3A_23 = arith.cmpi ne, %rem3A_21, %ne3A_22 : i32
    %lt3A = arith.constant 0 : i32
    %lt3A_24 = arith.cmpi slt, %rem3A_21, %lt3A : i32
    %lt3A_25 = arith.constant 0 : i32
    %lt3A_26 = arith.cmpi slt, %select_n3A_20, %lt3A_25 : i32
    %ne3A_27 = arith.xori %lt3A_24, %lt3A_26 : i1
    %and3A_28 = arith.andi %ne3A_27, %ne3A_23 : i1
    %add3A_29 = arith.addi %rem3A_21, %select_n3A_20 : i32
    %select_n3A_30 = arith.select %and3A_28, %add3A_29, %rem3A_21 : i32
    %mul3A_31 = arith.constant 128 : i32
    %mul3A_32 = arith.muli %mul3A_31, %select_n3A : i32
    %add3A_33 = arith.constant 129 : i32
    %add3A_34 = arith.addi %mul3A_32, %add3A_33 : i32
    %mul3A_35 = arith.muli %select_n3A, %add3A_34 : i32
    %mul3A_36 = arith.constant 64 : i32
    %mul3A_37 = arith.muli %mul3A_35, %mul3A_36 : i32
    %mul3A_38 = arith.constant 4096 : i32
    %mul3A_39 = arith.muli %select_n3A, %mul3A_38 : i32
    %mul3A_40 = arith.constant 64 : i32
    %mul3A_41 = arith.muli %mul3A_39, %mul3A_40 : i32
    %add3A_42 = arith.constant 1 : i32
    %add3A_43 = arith.addi %select_n3A, %add3A_42 : i32
    %eq3A_44 = arith.constant 0 : i32
    %eq3A_45 = arith.cmpi eq, %select_n3A_30, %eq3A_44 : i32
    %convert_element_type3A = arith.extui %eq3A_45 : i1 to i32
    %cond3A = arith.constant 0 : i32
    %cond3A_46 = arith.cmpi ne, %convert_element_type3A, %cond3A : i32
    scf.if %cond3A_46 {
      "tpu.region"() ({
        %run_scoped3A = tpu.sem_alloc : memref<!tpu.dma_semaphore, #tpu.memory_space<semaphore_mem>>
        tpu.enqueue_dma source(%arg4 : memref<16384xf32, #tpu.memory_space<hbm>>) target(%arg12 : memref<16384xf32, #tpu.memory_space<vmem>>) target_semaphore(%run_scoped3A : memref<!tpu.dma_semaphore, #tpu.memory_space<semaphore_mem>>)
        tpu.wait_dma2 semaphore(%run_scoped3A : memref<!tpu.dma_semaphore, #tpu.memory_space<semaphore_mem>>) src(%arg4 : memref<16384xf32, #tpu.memory_space<hbm>>) dst(%arg12 : memref<16384xf32, #tpu.memory_space<vmem>>)
        tpu.yield
      }) : () -> ()
      %scan3A = arith.constant 0 : i32
      %scan3A_52 = arith.constant 0 : i32
      %scan3A_53 = arith.constant 16 : i32
      %scan3A_54 = arith.addi %scan3A_52, %scan3A_53 : i32
      %scan3A_55 = arith.constant 1 : i32
      scf.for %scan3A_104 = %scan3A_52 to %scan3A_54 step %scan3A_55  : i32 {
        %lt3A_105 = arith.cmpi slt, %scan3A_104, %add3A_43 : i32
        %convert_element_type3A_106 = arith.extui %lt3A_105 : i1 to i32
        %cond3A_107 = arith.constant 0 : i32
        %cond3A_108 = arith.cmpi ne, %convert_element_type3A_106, %cond3A_107 : i32
        scf.if %cond3A_108 {
          %mul3A_112 = arith.constant 16384 : i32
          %mul3A_113 = arith.muli %scan3A_104, %mul3A_112 : i32
          %add3A_114 = arith.addi %mul3A_37, %mul3A_113 : i32
          "tpu.region"() ({
            %run_scoped3A = tpu.sem_alloc : memref<!tpu.dma_semaphore, #tpu.memory_space<semaphore_mem>>
            %dma_start3A = tpu.memref_slice %arg2[%add3A_114] : memref<2229248xf32, #tpu.memory_space<hbm>> -> memref<16384xf32, #tpu.memory_space<hbm>>
            %dma_start3A_118 = tpu.memref_slice %arg2[%add3A_114] : memref<2229248xf32, #tpu.memory_space<hbm>> -> memref<16384xf32, #tpu.memory_space<hbm>>
            tpu.enqueue_dma source(%dma_start3A_118 : memref<16384xf32, #tpu.memory_space<hbm>>) target(%arg11 : memref<16384xf32, #tpu.memory_space<vmem>>) target_semaphore(%run_scoped3A : memref<!tpu.dma_semaphore, #tpu.memory_space<semaphore_mem>>)
            %dma_wait3A = tpu.memref_slice %arg2[%add3A_114] : memref<2229248xf32, #tpu.memory_space<hbm>> -> memref<16384xf32, #tpu.memory_space<hbm>>
            %dma_wait3A_119 = tpu.memref_slice %arg2[%add3A_114] : memref<2229248xf32, #tpu.memory_space<hbm>> -> memref<16384xf32, #tpu.memory_space<hbm>>
            tpu.wait_dma2 semaphore(%run_scoped3A : memref<!tpu.dma_semaphore, #tpu.memory_space<semaphore_mem>>) src(%dma_wait3A_119 : memref<16384xf32, #tpu.memory_space<hbm>>) dst(%arg11 : memref<16384xf32, #tpu.memory_space<vmem>>)
            tpu.yield
          }) : () -> ()
          %mul3A_115 = arith.constant 16384 : i32
          %mul3A_116 = arith.muli %scan3A_104, %mul3A_115 : i32
          %add3A_117 = arith.addi %mul3A_41, %mul3A_116 : i32
          "tpu.region"() ({
            %run_scoped3A = tpu.sem_alloc : memref<!tpu.dma_semaphore, #tpu.memory_space<semaphore_mem>>
            %dma_start3A = tpu.memref_slice %arg8[%add3A_117] : memref<4194304xf32, #tpu.memory_space<hbm>> -> memref<16384xf32, #tpu.memory_space<hbm>>
            %dma_start3A_118 = tpu.memref_slice %arg8[%add3A_117] : memref<4194304xf32, #tpu.memory_space<hbm>> -> memref<16384xf32, #tpu.memory_space<hbm>>
            tpu.enqueue_dma source(%arg11 : memref<16384xf32, #tpu.memory_space<vmem>>) target(%dma_start3A_118 : memref<16384xf32, #tpu.memory_space<hbm>>) target_semaphore(%run_scoped3A : memref<!tpu.dma_semaphore, #tpu.memory_space<semaphore_mem>>)
            %dma_wait3A = tpu.memref_slice %arg8[%add3A_117] : memref<4194304xf32, #tpu.memory_space<hbm>> -> memref<16384xf32, #tpu.memory_space<hbm>>
            %dma_wait3A_119 = tpu.memref_slice %arg8[%add3A_117] : memref<4194304xf32, #tpu.memory_space<hbm>> -> memref<16384xf32, #tpu.memory_space<hbm>>
            tpu.wait_dma2 semaphore(%run_scoped3A : memref<!tpu.dma_semaphore, #tpu.memory_space<semaphore_mem>>) src(%arg11 : memref<16384xf32, #tpu.memory_space<vmem>>) dst(%dma_wait3A_119 : memref<16384xf32, #tpu.memory_space<hbm>>)
            tpu.yield
          }) : () -> ()
        } else {
        }
        %ge3A = arith.cmpi sge, %scan3A_104, %add3A_43 : i32
        %convert_element_type3A_109 = arith.extui %ge3A : i1 to i32
        %cond3A_110 = arith.constant 0 : i32
        %cond3A_111 = arith.cmpi ne, %convert_element_type3A_109, %cond3A_110 : i32
        scf.if %cond3A_111 {
          %mul3A_112 = arith.constant 16384 : i32
          %mul3A_113 = arith.muli %scan3A_104, %mul3A_112 : i32
          %add3A_114 = arith.addi %mul3A_41, %mul3A_113 : i32
          "tpu.region"() ({
            %run_scoped3A = tpu.sem_alloc : memref<!tpu.dma_semaphore, #tpu.memory_space<semaphore_mem>>
            %dma_start3A = tpu.memref_slice %arg8[%add3A_114] : memref<4194304xf32, #tpu.memory_space<hbm>> -> memref<16384xf32, #tpu.memory_space<hbm>>
            %dma_start3A_115 = tpu.memref_slice %arg8[%add3A_114] : memref<4194304xf32, #tpu.memory_space<hbm>> -> memref<16384xf32, #tpu.memory_space<hbm>>
            tpu.enqueue_dma source(%arg12 : memref<16384xf32, #tpu.memory_space<vmem>>) target(%dma_start3A_115 : memref<16384xf32, #tpu.memory_space<hbm>>) target_semaphore(%run_scoped3A : memref<!tpu.dma_semaphore, #tpu.memory_space<semaphore_mem>>)
            %dma_wait3A = tpu.memref_slice %arg8[%add3A_114] : memref<4194304xf32, #tpu.memory_space<hbm>> -> memref<16384xf32, #tpu.memory_space<hbm>>
            %dma_wait3A_116 = tpu.memref_slice %arg8[%add3A_114] : memref<4194304xf32, #tpu.memory_space<hbm>> -> memref<16384xf32, #tpu.memory_space<hbm>>
            tpu.wait_dma2 semaphore(%run_scoped3A : memref<!tpu.dma_semaphore, #tpu.memory_space<semaphore_mem>>) src(%arg12 : memref<16384xf32, #tpu.memory_space<vmem>>) dst(%dma_wait3A_116 : memref<16384xf32, #tpu.memory_space<hbm>>)
            tpu.yield
          }) : () -> ()
        } else {
        }
      }
      %scan3A_56 = arith.constant 16 : i32
      "tpu.region"() ({
        %run_scoped3A = tpu.sem_alloc : memref<!tpu.dma_semaphore, #tpu.memory_space<semaphore_mem>>
        tpu.enqueue_dma source(%arg7 : memref<32xf32, #tpu.memory_space<hbm>>) target(%arg15 : memref<32xf32, #tpu.memory_space<vmem>>) target_semaphore(%run_scoped3A : memref<!tpu.dma_semaphore, #tpu.memory_space<semaphore_mem>>)
        tpu.wait_dma2 semaphore(%run_scoped3A : memref<!tpu.dma_semaphore, #tpu.memory_space<semaphore_mem>>) src(%arg7 : memref<32xf32, #tpu.memory_space<hbm>>) dst(%arg15 : memref<32xf32, #tpu.memory_space<vmem>>)
        tpu.yield
      }) : () -> ()
      %mul3A_57 = arith.constant 128 : i32
      %mul3A_58 = arith.muli %mul3A_57, %select_n3A : i32
      %add3A_59 = arith.constant 129 : i32
      %add3A_60 = arith.addi %mul3A_58, %add3A_59 : i32
      %mul3A_61 = arith.muli %select_n3A, %add3A_60 : i32
      %jit3A_62 = arith.constant 8 : i32
      %div3A_63 = arith.divsi %mul3A_61, %jit3A_62 : i32
      %sign3A_64 = arith.constant 0 : i32
      %sign3A_65 = arith.cmpi sgt, %mul3A_61, %sign3A_64 : i32
      %sign3A_66 = arith.extui %sign3A_65 : i1 to i32
      %sign3A_67 = arith.constant 0 : i32
      %sign3A_68 = arith.cmpi slt, %mul3A_61, %sign3A_67 : i32
      %sign3A_69 = arith.extui %sign3A_68 : i1 to i32
      %sign3A_70 = arith.subi %sign3A_66, %sign3A_69 : i32
      %sign3A_71 = arith.constant 0 : i32
      %sign3A_72 = arith.cmpi sgt, %jit3A_62, %sign3A_71 : i32
      %sign3A_73 = arith.extui %sign3A_72 : i1 to i32
      %sign3A_74 = arith.constant 0 : i32
      %sign3A_75 = arith.cmpi slt, %jit3A_62, %sign3A_74 : i32
      %sign3A_76 = arith.extui %sign3A_75 : i1 to i32
      %sign3A_77 = arith.subi %sign3A_73, %sign3A_76 : i32
      %ne3A_78 = arith.cmpi ne, %sign3A_70, %sign3A_77 : i32
      %rem3A_79 = arith.remsi %mul3A_61, %jit3A_62 : i32
      %ne3A_80 = arith.constant 0 : i32
      %ne3A_81 = arith.cmpi ne, %rem3A_79, %ne3A_80 : i32
      %and3A_82 = arith.andi %ne3A_78, %ne3A_81 : i1
      %sub3A_83 = arith.constant 1 : i32
      %sub3A_84 = arith.subi %div3A_63, %sub3A_83 : i32
      %select_n3A_85 = arith.select %and3A_82, %sub3A_84, %div3A_63 : i32
      %mul3A_86 = arith.constant 8 : i32
      %mul3A_87 = arith.muli %select_n3A_85, %mul3A_86 : i32
      %sub3A_88 = arith.subi %mul3A_61, %mul3A_87 : i32
      "tpu.region"() ({
        %run_scoped3A = tpu.sem_alloc : memref<!tpu.dma_semaphore, #tpu.memory_space<semaphore_mem>>
        %dma_start3A = tpu.memref_slice %arg6[%mul3A_87] : memref<34848xf32, #tpu.memory_space<hbm>> -> memref<4112xf32, #tpu.memory_space<hbm>>
        %dma_start3A_104 = tpu.memref_slice %arg6[%mul3A_87] : memref<34848xf32, #tpu.memory_space<hbm>> -> memref<4112xf32, #tpu.memory_space<hbm>>
        tpu.enqueue_dma source(%dma_start3A_104 : memref<4112xf32, #tpu.memory_space<hbm>>) target(%arg13 : memref<4112xf32, #tpu.memory_space<vmem>>) target_semaphore(%run_scoped3A : memref<!tpu.dma_semaphore, #tpu.memory_space<semaphore_mem>>)
        %dma_wait3A = tpu.memref_slice %arg6[%mul3A_87] : memref<34848xf32, #tpu.memory_space<hbm>> -> memref<4112xf32, #tpu.memory_space<hbm>>
        %dma_wait3A_105 = tpu.memref_slice %arg6[%mul3A_87] : memref<34848xf32, #tpu.memory_space<hbm>> -> memref<4112xf32, #tpu.memory_space<hbm>>
        tpu.wait_dma2 semaphore(%run_scoped3A : memref<!tpu.dma_semaphore, #tpu.memory_space<semaphore_mem>>) src(%dma_wait3A_105 : memref<4112xf32, #tpu.memory_space<hbm>>) dst(%arg13 : memref<4112xf32, #tpu.memory_space<vmem>>)
        tpu.yield
      }) : () -> ()
      %get3A = arith.constant 0 : index
      %get3A_89 = tpu.vector_load %arg15[%get3A] {strides = array<i32>} : memref<32xf32, #tpu.memory_space<vmem>>, vector<16xf32>,
      %get3A_90 = vector.shape_cast %get3A_89 : vector<16xf32> to vector<16xf32>
      %get3A_91 = arith.constant 16 : index
      %get3A_92 = tpu.vector_load %arg15[%get3A_91] {strides = array<i32>} : memref<32xf32, #tpu.memory_space<vmem>>, vector<16xf32>,
      %get3A_93 = vector.shape_cast %get3A_92 : vector<16xf32> to vector<16xf32>
      %iota3A = tpu.iota {dimensions = array<i32: 0>} : vector<16xi32>
      %mul3A_94 = arith.constant 256 : i32
      %mul3A_95 = arith.muli %mul3A_94, %add3A_43 : i32
      %scan3A_96 = arith.constant 0 : i32
      %scan3A_97 = arith.constant 0 : i32
      %scan3A_98 = arith.constant 257 : i32
      %scan3A_99 = arith.addi %scan3A_97, %scan3A_98 : i32
      %scan3A_100 = arith.constant 1 : i32
      scf.for %scan3A_104 = %scan3A_97 to %scan3A_99 step %scan3A_100  : i32 {
        %mul3A_105 = arith.constant 16 : i32
        %mul3A_106 = arith.muli %scan3A_104, %mul3A_105 : i32
        %add3A_107 = vector.broadcast %mul3A_106 : i32 to vector<16xi32>
        %add3A_108 = arith.addi %add3A_107, %iota3A : vector<16xi32>
        %mul3A_109 = arith.constant 16 : i32
        %mul3A_110 = arith.muli %scan3A_104, %mul3A_109 : i32
        %add3A_111 = arith.addi %sub3A_88, %mul3A_110 : i32
        %get3A_112 = arith.index_cast %add3A_111 : i32 to index
        %get3A_113 = tpu.vector_load %arg13[%get3A_112] {strides = array<i32>} : memref<4112xf32, #tpu.memory_space<vmem>>, vector<16xf32>,
        %get3A_114 = vector.shape_cast %get3A_113 : vector<16xf32> to vector<16xf32>
        %le3A = vector.broadcast %mul3A_95 : i32 to vector<16xi32>
        %le3A_115 = arith.cmpi sle, %add3A_108, %le3A : vector<16xi32>
        %mul3A_116 = arith.mulf %get3A_114, %get3A_90 : vector<16xf32>
        %add3A_117 = arith.addf %mul3A_116, %get3A_93 : vector<16xf32>
        %select_n3A_118 = arith.select %le3A_115, %add3A_117, %get3A_93 : vector<16xi1>, vector<16xf32>
        %mul3A_119 = arith.constant 16 : i32
        %mul3A_120 = arith.muli %scan3A_104, %mul3A_119 : i32
        %swap3A = arith.index_cast %mul3A_120 : i32 to index
        %swap3A_121 = tpu.vector_load %arg14[%swap3A] {strides = array<i32>} : memref<4120xf32, #tpu.memory_space<vmem>>, vector<16xf32>,
        %swap3A_122 = vector.shape_cast %swap3A_121 : vector<16xf32> to vector<16xf32>
        %swap3A_123 = vector.shape_cast %select_n3A_118 : vector<16xf32> to vector<16xf32>
        tpu.vector_store %arg14[%swap3A], %swap3A_123 {strides = array<i32>} : memref<4120xf32, #tpu.memory_space<vmem>>, vector<16xf32>,
      }
      %scan3A_101 = arith.constant 257 : i32
      %mul3A_102 = arith.constant 4104 : i32
      %mul3A_103 = arith.muli %select_n3A, %mul3A_102 : i32
      "tpu.region"() ({
        %run_scoped3A = tpu.sem_alloc : memref<!tpu.dma_semaphore, #tpu.memory_space<semaphore_mem>>
        %dma_start3A = arith.constant 0 : i32
        %dma_start3A_104 = tpu.memref_slice %arg14[%dma_start3A] : memref<4120xf32, #tpu.memory_space<vmem>> -> memref<4104xf32, #tpu.memory_space<vmem>>
        %dma_start3A_105 = tpu.memref_slice %arg10[%mul3A_103] : memref<65664xf32, #tpu.memory_space<hbm>> -> memref<4104xf32, #tpu.memory_space<hbm>>
        %dma_start3A_106 = tpu.memref_slice %arg10[%mul3A_103] : memref<65664xf32, #tpu.memory_space<hbm>> -> memref<4104xf32, #tpu.memory_space<hbm>>
        %dma_start3A_107 = arith.constant 0 : i32
        %dma_start3A_108 = tpu.memref_slice %arg14[%dma_start3A_107] : memref<4120xf32, #tpu.memory_space<vmem>> -> memref<4104xf32, #tpu.memory_space<vmem>>
        tpu.enqueue_dma source(%dma_start3A_108 : memref<4104xf32, #tpu.memory_space<vmem>>) target(%dma_start3A_106 : memref<4104xf32, #tpu.memory_space<hbm>>) target_semaphore(%run_scoped3A : memref<!tpu.dma_semaphore, #tpu.memory_space<semaphore_mem>>)
        %dma_wait3A = arith.constant 0 : i32
        %dma_wait3A_109 = tpu.memref_slice %arg14[%dma_wait3A] : memref<4120xf32, #tpu.memory_space<vmem>> -> memref<4104xf32, #tpu.memory_space<vmem>>
        %dma_wait3A_110 = tpu.memref_slice %arg10[%mul3A_103] : memref<65664xf32, #tpu.memory_space<hbm>> -> memref<4104xf32, #tpu.memory_space<hbm>>
        %dma_wait3A_111 = tpu.memref_slice %arg10[%mul3A_103] : memref<65664xf32, #tpu.memory_space<hbm>> -> memref<4104xf32, #tpu.memory_space<hbm>>
        %dma_wait3A_112 = arith.constant 0 : i32
        %dma_wait3A_113 = tpu.memref_slice %arg14[%dma_wait3A_112] : memref<4120xf32, #tpu.memory_space<vmem>> -> memref<4104xf32, #tpu.memory_space<vmem>>
        tpu.wait_dma2 semaphore(%run_scoped3A : memref<!tpu.dma_semaphore, #tpu.memory_space<semaphore_mem>>) src(%dma_wait3A_113 : memref<4104xf32, #tpu.memory_space<vmem>>) dst(%dma_wait3A_111 : memref<4104xf32, #tpu.memory_space<hbm>>)
        tpu.yield
      }) : () -> ()
    } else {
    }
    %eq3A_47 = arith.constant 1 : i32
    %eq3A_48 = arith.cmpi eq, %select_n3A_30, %eq3A_47 : i32
    %convert_element_type3A_49 = arith.extui %eq3A_48 : i1 to i32
    %cond3A_50 = arith.constant 0 : i32
    %cond3A_51 = arith.cmpi ne, %convert_element_type3A_49, %cond3A_50 : i32
    scf.if %cond3A_51 {
      "tpu.region"() ({
        %run_scoped3A = tpu.sem_alloc : memref<!tpu.dma_semaphore, #tpu.memory_space<semaphore_mem>>
        tpu.enqueue_dma source(%arg5 : memref<16384xf32, #tpu.memory_space<hbm>>) target(%arg12 : memref<16384xf32, #tpu.memory_space<vmem>>) target_semaphore(%run_scoped3A : memref<!tpu.dma_semaphore, #tpu.memory_space<semaphore_mem>>)
        tpu.wait_dma2 semaphore(%run_scoped3A : memref<!tpu.dma_semaphore, #tpu.memory_space<semaphore_mem>>) src(%arg5 : memref<16384xf32, #tpu.memory_space<hbm>>) dst(%arg12 : memref<16384xf32, #tpu.memory_space<vmem>>)
        tpu.yield
      }) : () -> ()
      %scan3A = arith.constant 0 : i32
      %scan3A_52 = arith.constant 0 : i32
      %scan3A_53 = arith.constant 16 : i32
      %scan3A_54 = arith.addi %scan3A_52, %scan3A_53 : i32
      %scan3A_55 = arith.constant 1 : i32
      scf.for %scan3A_57 = %scan3A_52 to %scan3A_54 step %scan3A_55  : i32 {
        %lt3A_58 = arith.cmpi slt, %scan3A_57, %add3A_43 : i32
        %convert_element_type3A_59 = arith.extui %lt3A_58 : i1 to i32
        %cond3A_60 = arith.constant 0 : i32
        %cond3A_61 = arith.cmpi ne, %convert_element_type3A_59, %cond3A_60 : i32
        scf.if %cond3A_61 {
          %mul3A_65 = arith.constant 16384 : i32
          %mul3A_66 = arith.muli %scan3A_57, %mul3A_65 : i32
          %add3A_67 = arith.addi %mul3A_37, %mul3A_66 : i32
          "tpu.region"() ({
            %run_scoped3A = tpu.sem_alloc : memref<!tpu.dma_semaphore, #tpu.memory_space<semaphore_mem>>
            %dma_start3A = tpu.memref_slice %arg3[%add3A_67] : memref<2229248xf32, #tpu.memory_space<hbm>> -> memref<16384xf32, #tpu.memory_space<hbm>>
            %dma_start3A_71 = tpu.memref_slice %arg3[%add3A_67] : memref<2229248xf32, #tpu.memory_space<hbm>> -> memref<16384xf32, #tpu.memory_space<hbm>>
            tpu.enqueue_dma source(%dma_start3A_71 : memref<16384xf32, #tpu.memory_space<hbm>>) target(%arg11 : memref<16384xf32, #tpu.memory_space<vmem>>) target_semaphore(%run_scoped3A : memref<!tpu.dma_semaphore, #tpu.memory_space<semaphore_mem>>)
            %dma_wait3A = tpu.memref_slice %arg3[%add3A_67] : memref<2229248xf32, #tpu.memory_space<hbm>> -> memref<16384xf32, #tpu.memory_space<hbm>>
            %dma_wait3A_72 = tpu.memref_slice %arg3[%add3A_67] : memref<2229248xf32, #tpu.memory_space<hbm>> -> memref<16384xf32, #tpu.memory_space<hbm>>
            tpu.wait_dma2 semaphore(%run_scoped3A : memref<!tpu.dma_semaphore, #tpu.memory_space<semaphore_mem>>) src(%dma_wait3A_72 : memref<16384xf32, #tpu.memory_space<hbm>>) dst(%arg11 : memref<16384xf32, #tpu.memory_space<vmem>>)
            tpu.yield
          }) : () -> ()
          %mul3A_68 = arith.constant 16384 : i32
          %mul3A_69 = arith.muli %scan3A_57, %mul3A_68 : i32
          %add3A_70 = arith.addi %mul3A_41, %mul3A_69 : i32
          "tpu.region"() ({
            %run_scoped3A = tpu.sem_alloc : memref<!tpu.dma_semaphore, #tpu.memory_space<semaphore_mem>>
            %dma_start3A = tpu.memref_slice %arg9[%add3A_70] : memref<4194304xf32, #tpu.memory_space<hbm>> -> memref<16384xf32, #tpu.memory_space<hbm>>
            %dma_start3A_71 = tpu.memref_slice %arg9[%add3A_70] : memref<4194304xf32, #tpu.memory_space<hbm>> -> memref<16384xf32, #tpu.memory_space<hbm>>
            tpu.enqueue_dma source(%arg11 : memref<16384xf32, #tpu.memory_space<vmem>>) target(%dma_start3A_71 : memref<16384xf32, #tpu.memory_space<hbm>>) target_semaphore(%run_scoped3A : memref<!tpu.dma_semaphore, #tpu.memory_space<semaphore_mem>>)
            %dma_wait3A = tpu.memref_slice %arg9[%add3A_70] : memref<4194304xf32, #tpu.memory_space<hbm>> -> memref<16384xf32, #tpu.memory_space<hbm>>
            %dma_wait3A_72 = tpu.memref_slice %arg9[%add3A_70] : memref<4194304xf32, #tpu.memory_space<hbm>> -> memref<16384xf32, #tpu.memory_space<hbm>>
            tpu.wait_dma2 semaphore(%run_scoped3A : memref<!tpu.dma_semaphore, #tpu.memory_space<semaphore_mem>>) src(%arg11 : memref<16384xf32, #tpu.memory_space<vmem>>) dst(%dma_wait3A_72 : memref<16384xf32, #tpu.memory_space<hbm>>)
            tpu.yield
          }) : () -> ()
        } else {
        }
        %ge3A = arith.cmpi sge, %scan3A_57, %add3A_43 : i32
        %convert_element_type3A_62 = arith.extui %ge3A : i1 to i32
        %cond3A_63 = arith.constant 0 : i32
        %cond3A_64 = arith.cmpi ne, %convert_element_type3A_62, %cond3A_63 : i32
        scf.if %cond3A_64 {
          %mul3A_65 = arith.constant 16384 : i32
          %mul3A_66 = arith.muli %scan3A_57, %mul3A_65 : i32
          %add3A_67 = arith.addi %mul3A_41, %mul3A_66 : i32
          "tpu.region"() ({
            %run_scoped3A = tpu.sem_alloc : memref<!tpu.dma_semaphore, #tpu.memory_space<semaphore_mem>>
            %dma_start3A = tpu.memref_slice %arg9[%add3A_67] : memref<4194304xf32, #tpu.memory_space<hbm>> -> memref<16384xf32, #tpu.memory_space<hbm>>
            %dma_start3A_68 = tpu.memref_slice %arg9[%add3A_67] : memref<4194304xf32, #tpu.memory_space<hbm>> -> memref<16384xf32, #tpu.memory_space<hbm>>
            tpu.enqueue_dma source(%arg12 : memref<16384xf32, #tpu.memory_space<vmem>>) target(%dma_start3A_68 : memref<16384xf32, #tpu.memory_space<hbm>>) target_semaphore(%run_scoped3A : memref<!tpu.dma_semaphore, #tpu.memory_space<semaphore_mem>>)
            %dma_wait3A = tpu.memref_slice %arg9[%add3A_67] : memref<4194304xf32, #tpu.memory_space<hbm>> -> memref<16384xf32, #tpu.memory_space<hbm>>
            %dma_wait3A_69 = tpu.memref_slice %arg9[%add3A_67] : memref<4194304xf32, #tpu.memory_space<hbm>> -> memref<16384xf32, #tpu.memory_space<hbm>>
            tpu.wait_dma2 semaphore(%run_scoped3A : memref<!tpu.dma_semaphore, #tpu.memory_space<semaphore_mem>>) src(%arg12 : memref<16384xf32, #tpu.memory_space<vmem>>) dst(%dma_wait3A_69 : memref<16384xf32, #tpu.memory_space<hbm>>)
            tpu.yield
          }) : () -> ()
        } else {
        }
      }
      %scan3A_56 = arith.constant 16 : i32
    } else {
    }
    return
  }
}

module attributes {stable_mosaic.version = 14 : i64} {
  func.func @_stats_body(%arg0: i32, %arg1: memref<4976x64xf32, #tpu.memory_space<vmem>>, %arg2: memref<4976x64xf32, #tpu.memory_space<vmem>>, %arg3: memref<8x4354xf32, #tpu.memory_space<vmem>>, %arg4: memref<8x64xf32, #tpu.memory_space<vmem>>, %arg5: memref<1x2xf32, #tpu.memory_space<vmem>>) attributes {dimension_semantics = [#tpu.dimension_semantics<arbitrary>], iteration_bounds = array<i64: 7>, scalar_prefetch = 0 : i64, scratch_operands = 0 : i64, tpu.core_type = #tpu.core_type<tc>, window_params = [{transform_indices = @transform_0, window_bounds = array<i64: 4976, 64>}, {transform_indices = @transform_1, window_bounds = array<i64: 4976, 64>}, {pipeline_mode = #tpu.pipeline_mode<synchronous>, transform_indices = @transform_2, window_bounds = array<i64: 8, 4354>}, {pipeline_mode = #tpu.pipeline_mode<synchronous>, transform_indices = @transform_3, window_bounds = array<i64: 8, 64>}, {pipeline_mode = #tpu.pipeline_mode<synchronous>, transform_indices = @transform_4, window_bounds = array<i64: 1, 2>}]} {
    %get3A = arith.constant 0 : index
    %get3A_0 = arith.constant 0 : index
    %get3A_1 = vector.load %arg1[%get3A, %get3A_0] : memref<4976x64xf32, #tpu.memory_space<vmem>>, vector<4976x64xf32>
    %get3A_2 = arith.constant 0 : index
    %get3A_3 = arith.constant 0 : index
    %get3A_4 = vector.load %arg2[%get3A_2, %get3A_3] : memref<4976x64xf32, #tpu.memory_space<vmem>>, vector<4976x64xf32>
    %slice3A = vector.extract_strided_slice %get3A_1 {offsets = [1, 0], sizes = [4975, 64], strides = [1, 1]} : vector<4976x64xf32> to vector<4975x64xf32>
    %slice3A_5 = vector.extract_strided_slice %get3A_4 {offsets = [0, 0], sizes = [1, 64], strides = [1, 1]} : vector<4976x64xf32> to vector<1x64xf32>
    %concatenate3A = tpu.concatenate %slice3A, %slice3A_5 in 0 : vector<4975x64xf32>, vector<1x64xf32> -> vector<4976x64xf32>
    %mul3A = arith.constant 4976 : i32
    %mul3A_6 = arith.muli %arg0, %mul3A : i32
    %iota3A = tpu.iota {dimensions = array<i32: 0>} : vector<4976x1xi32>
    %add3A = vector.broadcast %mul3A_6 : i32 to vector<4976x1xi32>
    %add3A_7 = arith.addi %add3A, %iota3A : vector<4976x1xi32>
    %eq3A = arith.constant 256 : i32
    %eq3A_8 = vector.broadcast %eq3A : i32 to vector<4976x1xi32>
    %eq3A_9 = arith.cmpi eq, %add3A_7, %eq3A_8 : vector<4976x1xi32>
    %eq3A_10 = arith.constant 769 : i32
    %eq3A_11 = vector.broadcast %eq3A_10 : i32 to vector<4976x1xi32>
    %eq3A_12 = arith.cmpi eq, %add3A_7, %eq3A_11 : vector<4976x1xi32>
    %eq3A_13 = arith.constant 1538 : i32
    %eq3A_14 = vector.broadcast %eq3A_13 : i32 to vector<4976x1xi32>
    %eq3A_15 = arith.cmpi eq, %add3A_7, %eq3A_14 : vector<4976x1xi32>
    %eq3A_16 = arith.constant 2563 : i32
    %eq3A_17 = vector.broadcast %eq3A_16 : i32 to vector<4976x1xi32>
    %eq3A_18 = arith.cmpi eq, %add3A_7, %eq3A_17 : vector<4976x1xi32>
    %eq3A_19 = arith.constant 3844 : i32
    %eq3A_20 = vector.broadcast %eq3A_19 : i32 to vector<4976x1xi32>
    %eq3A_21 = arith.cmpi eq, %add3A_7, %eq3A_20 : vector<4976x1xi32>
    %eq3A_22 = arith.constant 5381 : i32
    %eq3A_23 = vector.broadcast %eq3A_22 : i32 to vector<4976x1xi32>
    %eq3A_24 = arith.cmpi eq, %add3A_7, %eq3A_23 : vector<4976x1xi32>
    %eq3A_25 = arith.constant 7174 : i32
    %eq3A_26 = vector.broadcast %eq3A_25 : i32 to vector<4976x1xi32>
    %eq3A_27 = arith.cmpi eq, %add3A_7, %eq3A_26 : vector<4976x1xi32>
    %eq3A_28 = arith.constant 9223 : i32
    %eq3A_29 = vector.broadcast %eq3A_28 : i32 to vector<4976x1xi32>
    %eq3A_30 = arith.cmpi eq, %add3A_7, %eq3A_29 : vector<4976x1xi32>
    %eq3A_31 = arith.constant 11528 : i32
    %eq3A_32 = vector.broadcast %eq3A_31 : i32 to vector<4976x1xi32>
    %eq3A_33 = arith.cmpi eq, %add3A_7, %eq3A_32 : vector<4976x1xi32>
    %eq3A_34 = arith.constant 14089 : i32
    %eq3A_35 = vector.broadcast %eq3A_34 : i32 to vector<4976x1xi32>
    %eq3A_36 = arith.cmpi eq, %add3A_7, %eq3A_35 : vector<4976x1xi32>
    %eq3A_37 = arith.constant 16906 : i32
    %eq3A_38 = vector.broadcast %eq3A_37 : i32 to vector<4976x1xi32>
    %eq3A_39 = arith.cmpi eq, %add3A_7, %eq3A_38 : vector<4976x1xi32>
    %eq3A_40 = arith.constant 19979 : i32
    %eq3A_41 = vector.broadcast %eq3A_40 : i32 to vector<4976x1xi32>
    %eq3A_42 = arith.cmpi eq, %add3A_7, %eq3A_41 : vector<4976x1xi32>
    %eq3A_43 = arith.constant 23308 : i32
    %eq3A_44 = vector.broadcast %eq3A_43 : i32 to vector<4976x1xi32>
    %eq3A_45 = arith.cmpi eq, %add3A_7, %eq3A_44 : vector<4976x1xi32>
    %eq3A_46 = arith.constant 26893 : i32
    %eq3A_47 = vector.broadcast %eq3A_46 : i32 to vector<4976x1xi32>
    %eq3A_48 = arith.cmpi eq, %add3A_7, %eq3A_47 : vector<4976x1xi32>
    %eq3A_49 = arith.constant 30734 : i32
    %eq3A_50 = vector.broadcast %eq3A_49 : i32 to vector<4976x1xi32>
    %eq3A_51 = arith.cmpi eq, %add3A_7, %eq3A_50 : vector<4976x1xi32>
    %eq3A_52 = arith.constant 34831 : i32
    %eq3A_53 = vector.broadcast %eq3A_52 : i32 to vector<4976x1xi32>
    %eq3A_54 = arith.cmpi eq, %add3A_7, %eq3A_53 : vector<4976x1xi32>
    %or3A = arith.ori %eq3A_9, %eq3A_12 : vector<4976x1xi1>
    %or3A_55 = arith.ori %or3A, %eq3A_15 : vector<4976x1xi1>
    %or3A_56 = arith.ori %or3A_55, %eq3A_18 : vector<4976x1xi1>
    %or3A_57 = arith.ori %or3A_56, %eq3A_21 : vector<4976x1xi1>
    %or3A_58 = arith.ori %or3A_57, %eq3A_24 : vector<4976x1xi1>
    %or3A_59 = arith.ori %or3A_58, %eq3A_27 : vector<4976x1xi1>
    %or3A_60 = arith.ori %or3A_59, %eq3A_30 : vector<4976x1xi1>
    %or3A_61 = arith.ori %or3A_60, %eq3A_33 : vector<4976x1xi1>
    %or3A_62 = arith.ori %or3A_61, %eq3A_36 : vector<4976x1xi1>
    %or3A_63 = arith.ori %or3A_62, %eq3A_39 : vector<4976x1xi1>
    %or3A_64 = arith.ori %or3A_63, %eq3A_42 : vector<4976x1xi1>
    %or3A_65 = arith.ori %or3A_64, %eq3A_45 : vector<4976x1xi1>
    %or3A_66 = arith.ori %or3A_65, %eq3A_48 : vector<4976x1xi1>
    %or3A_67 = arith.ori %or3A_66, %eq3A_51 : vector<4976x1xi1>
    %or3A_68 = arith.ori %or3A_67, %eq3A_54 : vector<4976x1xi1>
    %eq3A_69 = arith.constant 0 : i32
    %eq3A_70 = vector.broadcast %eq3A_69 : i32 to vector<4976x1xi32>
    %eq3A_71 = arith.cmpi eq, %add3A_7, %eq3A_70 : vector<4976x1xi32>
    %eq3A_72 = arith.constant 257 : i32
    %eq3A_73 = vector.broadcast %eq3A_72 : i32 to vector<4976x1xi32>
    %eq3A_74 = arith.cmpi eq, %add3A_7, %eq3A_73 : vector<4976x1xi32>
    %eq3A_75 = arith.constant 770 : i32
    %eq3A_76 = vector.broadcast %eq3A_75 : i32 to vector<4976x1xi32>
    %eq3A_77 = arith.cmpi eq, %add3A_7, %eq3A_76 : vector<4976x1xi32>
    %eq3A_78 = arith.constant 1539 : i32
    %eq3A_79 = vector.broadcast %eq3A_78 : i32 to vector<4976x1xi32>
    %eq3A_80 = arith.cmpi eq, %add3A_7, %eq3A_79 : vector<4976x1xi32>
    %eq3A_81 = arith.constant 2564 : i32
    %eq3A_82 = vector.broadcast %eq3A_81 : i32 to vector<4976x1xi32>
    %eq3A_83 = arith.cmpi eq, %add3A_7, %eq3A_82 : vector<4976x1xi32>
    %eq3A_84 = arith.constant 3845 : i32
    %eq3A_85 = vector.broadcast %eq3A_84 : i32 to vector<4976x1xi32>
    %eq3A_86 = arith.cmpi eq, %add3A_7, %eq3A_85 : vector<4976x1xi32>
    %eq3A_87 = arith.constant 5382 : i32
    %eq3A_88 = vector.broadcast %eq3A_87 : i32 to vector<4976x1xi32>
    %eq3A_89 = arith.cmpi eq, %add3A_7, %eq3A_88 : vector<4976x1xi32>
    %eq3A_90 = arith.constant 7175 : i32
    %eq3A_91 = vector.broadcast %eq3A_90 : i32 to vector<4976x1xi32>
    %eq3A_92 = arith.cmpi eq, %add3A_7, %eq3A_91 : vector<4976x1xi32>
    %eq3A_93 = arith.constant 9224 : i32
    %eq3A_94 = vector.broadcast %eq3A_93 : i32 to vector<4976x1xi32>
    %eq3A_95 = arith.cmpi eq, %add3A_7, %eq3A_94 : vector<4976x1xi32>
    %eq3A_96 = arith.constant 11529 : i32
    %eq3A_97 = vector.broadcast %eq3A_96 : i32 to vector<4976x1xi32>
    %eq3A_98 = arith.cmpi eq, %add3A_7, %eq3A_97 : vector<4976x1xi32>
    %eq3A_99 = arith.constant 14090 : i32
    %eq3A_100 = vector.broadcast %eq3A_99 : i32 to vector<4976x1xi32>
    %eq3A_101 = arith.cmpi eq, %add3A_7, %eq3A_100 : vector<4976x1xi32>
    %eq3A_102 = arith.constant 16907 : i32
    %eq3A_103 = vector.broadcast %eq3A_102 : i32 to vector<4976x1xi32>
    %eq3A_104 = arith.cmpi eq, %add3A_7, %eq3A_103 : vector<4976x1xi32>
    %eq3A_105 = arith.constant 19980 : i32
    %eq3A_106 = vector.broadcast %eq3A_105 : i32 to vector<4976x1xi32>
    %eq3A_107 = arith.cmpi eq, %add3A_7, %eq3A_106 : vector<4976x1xi32>
    %eq3A_108 = arith.constant 23309 : i32
    %eq3A_109 = vector.broadcast %eq3A_108 : i32 to vector<4976x1xi32>
    %eq3A_110 = arith.cmpi eq, %add3A_7, %eq3A_109 : vector<4976x1xi32>
    %eq3A_111 = arith.constant 26894 : i32
    %eq3A_112 = vector.broadcast %eq3A_111 : i32 to vector<4976x1xi32>
    %eq3A_113 = arith.cmpi eq, %add3A_7, %eq3A_112 : vector<4976x1xi32>
    %eq3A_114 = arith.constant 30735 : i32
    %eq3A_115 = vector.broadcast %eq3A_114 : i32 to vector<4976x1xi32>
    %eq3A_116 = arith.cmpi eq, %add3A_7, %eq3A_115 : vector<4976x1xi32>
    %or3A_117 = arith.ori %eq3A_71, %eq3A_74 : vector<4976x1xi1>
    %or3A_118 = arith.ori %or3A_117, %eq3A_77 : vector<4976x1xi1>
    %or3A_119 = arith.ori %or3A_118, %eq3A_80 : vector<4976x1xi1>
    %or3A_120 = arith.ori %or3A_119, %eq3A_83 : vector<4976x1xi1>
    %or3A_121 = arith.ori %or3A_120, %eq3A_86 : vector<4976x1xi1>
    %or3A_122 = arith.ori %or3A_121, %eq3A_89 : vector<4976x1xi1>
    %or3A_123 = arith.ori %or3A_122, %eq3A_92 : vector<4976x1xi1>
    %or3A_124 = arith.ori %or3A_123, %eq3A_95 : vector<4976x1xi1>
    %or3A_125 = arith.ori %or3A_124, %eq3A_98 : vector<4976x1xi1>
    %or3A_126 = arith.ori %or3A_125, %eq3A_101 : vector<4976x1xi1>
    %or3A_127 = arith.ori %or3A_126, %eq3A_104 : vector<4976x1xi1>
    %or3A_128 = arith.ori %or3A_127, %eq3A_107 : vector<4976x1xi1>
    %or3A_129 = arith.ori %or3A_128, %eq3A_110 : vector<4976x1xi1>
    %or3A_130 = arith.ori %or3A_129, %eq3A_113 : vector<4976x1xi1>
    %or3A_131 = arith.ori %or3A_130, %eq3A_116 : vector<4976x1xi1>
    %convert_element_type3A = arith.extui %or3A_68 : vector<4976x1xi1> to vector<4976x1xi32>
    %convert_element_type3A_132 = arith.sitofp %convert_element_type3A : vector<4976x1xi32> to vector<4976x1xf32>
    %sub3A = arith.constant 1.000000e+00 : f32
    %sub3A_133 = vector.broadcast %sub3A : f32 to vector<4976x1xf32>
    %sub3A_134 = arith.subf %sub3A_133, %convert_element_type3A_132 : vector<4976x1xf32>
    %convert_element_type3A_135 = arith.extui %or3A_131 : vector<4976x1xi1> to vector<4976x1xi32>
    %convert_element_type3A_136 = arith.sitofp %convert_element_type3A_135 : vector<4976x1xi32> to vector<4976x1xf32>
    %sub3A_137 = arith.constant 1.000000e+00 : f32
    %sub3A_138 = vector.broadcast %sub3A_137 : f32 to vector<4976x1xf32>
    %sub3A_139 = arith.subf %sub3A_138, %convert_element_type3A_136 : vector<4976x1xf32>
    %sub3A_140 = arith.subf %get3A_1, %concatenate3A : vector<4976x64xf32>
    %mul3A_141 = vector.broadcast %sub3A_134 : vector<4976x1xf32> to vector<4976x64xf32>
    %mul3A_142 = arith.mulf %sub3A_140, %mul3A_141 : vector<4976x64xf32>
    %mul3A_143 = vector.broadcast %sub3A_134 : vector<4976x1xf32> to vector<4976x64xf32>
    %mul3A_144 = arith.mulf %get3A_1, %mul3A_143 : vector<4976x64xf32>
    %reduce_sum3A = arith.constant dense<0.000000e+00> : vector<64xf32>
    %reduce_sum3A_145 = vector.multi_reduction <add>, %mul3A_144, %reduce_sum3A [0] : vector<4976x64xf32> to vector<64xf32>
    %broadcast_in_dim3A = vector.shape_cast %reduce_sum3A_145 : vector<64xf32> to vector<1x64xf32>
    %mul3A_146 = arith.mulf %get3A_1, %get3A_1 : vector<4976x64xf32>
    %mul3A_147 = vector.broadcast %sub3A_134 : vector<4976x1xf32> to vector<4976x64xf32>
    %mul3A_148 = arith.mulf %mul3A_146, %mul3A_147 : vector<4976x64xf32>
    %reduce_sum3A_149 = arith.constant dense<0.000000e+00> : vector<64xf32>
    %reduce_sum3A_150 = vector.multi_reduction <add>, %mul3A_148, %reduce_sum3A_149 [0] : vector<4976x64xf32> to vector<64xf32>
    %broadcast_in_dim3A_151 = vector.shape_cast %reduce_sum3A_150 : vector<64xf32> to vector<1x64xf32>
    %mul3A_152 = vector.broadcast %sub3A_139 : vector<4976x1xf32> to vector<4976x64xf32>
    %mul3A_153 = arith.mulf %get3A_1, %mul3A_152 : vector<4976x64xf32>
    %reduce_sum3A_154 = arith.constant dense<0.000000e+00> : vector<64xf32>
    %reduce_sum3A_155 = vector.multi_reduction <add>, %mul3A_153, %reduce_sum3A_154 [0] : vector<4976x64xf32> to vector<64xf32>
    %broadcast_in_dim3A_156 = vector.shape_cast %reduce_sum3A_155 : vector<64xf32> to vector<1x64xf32>
    %mul3A_157 = arith.mulf %get3A_1, %get3A_1 : vector<4976x64xf32>
    %mul3A_158 = vector.broadcast %sub3A_139 : vector<4976x1xf32> to vector<4976x64xf32>
    %mul3A_159 = arith.mulf %mul3A_157, %mul3A_158 : vector<4976x64xf32>
    %reduce_sum3A_160 = arith.constant dense<0.000000e+00> : vector<64xf32>
    %reduce_sum3A_161 = vector.multi_reduction <add>, %mul3A_159, %reduce_sum3A_160 [0] : vector<4976x64xf32> to vector<64xf32>
    %broadcast_in_dim3A_162 = vector.shape_cast %reduce_sum3A_161 : vector<64xf32> to vector<1x64xf32>
    %reduce_sum3A_163 = arith.constant dense<0.000000e+00> : vector<64xf32>
    %reduce_sum3A_164 = vector.multi_reduction <add>, %mul3A_142, %reduce_sum3A_163 [0] : vector<4976x64xf32> to vector<64xf32>
    %broadcast_in_dim3A_165 = vector.shape_cast %reduce_sum3A_164 : vector<64xf32> to vector<1x64xf32>
    %mul3A_166 = arith.mulf %mul3A_142, %mul3A_142 : vector<4976x64xf32>
    %reduce_sum3A_167 = arith.constant dense<0.000000e+00> : vector<64xf32>
    %reduce_sum3A_168 = vector.multi_reduction <add>, %mul3A_166, %reduce_sum3A_167 [0] : vector<4976x64xf32> to vector<64xf32>
    %broadcast_in_dim3A_169 = vector.shape_cast %reduce_sum3A_168 : vector<64xf32> to vector<1x64xf32>
    %broadcast_in_dim3A_170 = arith.constant 0.000000e+00 : f32
    %broadcast_in_dim3A_171 = vector.broadcast %broadcast_in_dim3A_170 : f32 to vector<2x64xf32>
    %concatenate3A_172 = tpu.concatenate %broadcast_in_dim3A, %broadcast_in_dim3A_151, %broadcast_in_dim3A_156, %broadcast_in_dim3A_162, %broadcast_in_dim3A_165, %broadcast_in_dim3A_169, %broadcast_in_dim3A_171 in 0 : vector<1x64xf32>, vector<1x64xf32>, vector<1x64xf32>, vector<1x64xf32>, vector<1x64xf32>, vector<1x64xf32>, vector<2x64xf32> -> vector<8x64xf32>
    %eq3A_173 = arith.constant 0 : i32
    %eq3A_174 = arith.cmpi eq, %arg0, %eq3A_173 : i32
    %convert_element_type3A_175 = arith.extui %eq3A_174 : i1 to i32
    %cond3A = arith.constant 0 : i32
    %cond3A_176 = arith.cmpi ne, %convert_element_type3A_175, %cond3A : i32
    scf.if %cond3A_176 {
      %swap3A = arith.constant 0 : index
      %swap3A_181 = arith.constant 0 : index
      %swap3A_182 = vector.load %arg4[%swap3A, %swap3A_181] : memref<8x64xf32, #tpu.memory_space<vmem>>, vector<8x64xf32>
      tpu.vector_store %arg4[%swap3A, %swap3A_181], %concatenate3A_172 {strides = array<i32>} : memref<8x64xf32, #tpu.memory_space<vmem>>, vector<8x64xf32>,
      %get3A_183 = arith.constant 0 : index
      %get3A_184 = arith.constant 0 : index
      %get3A_185 = vector.load %arg3[%get3A_183, %get3A_184] : memref<8x4354xf32, #tpu.memory_space<vmem>>, vector<8x4354xf32>
      %reduce_sum3A_186 = vector.shape_cast %get3A_185 : vector<8x4354xf32> to vector<1x8x4354xf32>
      %reduce_sum3A_187 = arith.constant dense<0.000000e+00> : vector<1xf32>
      %reduce_sum3A_188 = vector.multi_reduction <add>, %reduce_sum3A_186, %reduce_sum3A_187 [1, 2] : vector<1x8x4354xf32> to vector<1xf32>
      %reduce_sum3A_189 = vector.shape_cast %reduce_sum3A_188 : vector<1xf32> to vector<1x1x1xf32>
      %reduce_sum3A_190 = vector.extract %reduce_sum3A_189[0, 0, 0] : f32 from vector<1x1x1xf32>
      %broadcast_in_dim3A_191 = vector.broadcast %reduce_sum3A_190 : f32 to vector<1x1xf32>
      %mul3A_192 = arith.mulf %get3A_185, %get3A_185 : vector<8x4354xf32>
      %reduce_sum3A_193 = vector.shape_cast %mul3A_192 : vector<8x4354xf32> to vector<1x8x4354xf32>
      %reduce_sum3A_194 = arith.constant dense<0.000000e+00> : vector<1xf32>
      %reduce_sum3A_195 = vector.multi_reduction <add>, %reduce_sum3A_193, %reduce_sum3A_194 [1, 2] : vector<1x8x4354xf32> to vector<1xf32>
      %reduce_sum3A_196 = vector.shape_cast %reduce_sum3A_195 : vector<1xf32> to vector<1x1x1xf32>
      %reduce_sum3A_197 = vector.extract %reduce_sum3A_196[0, 0, 0] : f32 from vector<1x1x1xf32>
      %broadcast_in_dim3A_198 = vector.broadcast %reduce_sum3A_197 : f32 to vector<1x1xf32>
      %concatenate3A_199 = tpu.concatenate %broadcast_in_dim3A_191, %broadcast_in_dim3A_198 in 1 : vector<1x1xf32>, vector<1x1xf32> -> vector<1x2xf32>
      %swap3A_200 = arith.constant 0 : index
      %swap3A_201 = arith.constant 0 : index
      %swap3A_202 = vector.load %arg5[%swap3A_200, %swap3A_201] : memref<1x2xf32, #tpu.memory_space<vmem>>, vector<1x2xf32>
      tpu.vector_store %arg5[%swap3A_200, %swap3A_201], %concatenate3A_199 {strides = array<i32>} : memref<1x2xf32, #tpu.memory_space<vmem>>, vector<1x2xf32>,
    } else {
    }
    %gt3A = arith.constant 0 : i32
    %gt3A_177 = arith.cmpi sgt, %arg0, %gt3A : i32
    %convert_element_type3A_178 = arith.extui %gt3A_177 : i1 to i32
    %cond3A_179 = arith.constant 0 : i32
    %cond3A_180 = arith.cmpi ne, %convert_element_type3A_178, %cond3A_179 : i32
    scf.if %cond3A_180 {
      %get3A_181 = arith.constant 0 : index
      %get3A_182 = arith.constant 0 : index
      %get3A_183 = vector.load %arg4[%get3A_181, %get3A_182] : memref<8x64xf32, #tpu.memory_space<vmem>>, vector<8x64xf32>
      %add3A_184 = arith.addf %get3A_183, %concatenate3A_172 : vector<8x64xf32>
      %swap3A = arith.constant 0 : index
      %swap3A_185 = arith.constant 0 : index
      %swap3A_186 = vector.load %arg4[%swap3A, %swap3A_185] : memref<8x64xf32, #tpu.memory_space<vmem>>, vector<8x64xf32>
      tpu.vector_store %arg4[%swap3A, %swap3A_185], %add3A_184 {strides = array<i32>} : memref<8x64xf32, #tpu.memory_space<vmem>>, vector<8x64xf32>,
    } else {
    }
    return
  }
  func.func @transform_0(%arg0: i32) -> (i32, i32) {
    %c0_i32 = arith.constant 0 : i32
    %c0_i32_0 = arith.constant 0 : i32
    return %arg0, %c0_i32 : i32, i32
  }
  func.func @transform_1(%arg0: i32) -> (i32, i32) {
    %add3A = arith.constant 1 : i32
    %add3A_0 = arith.addi %arg0, %add3A : i32
    %min3A = arith.constant 6 : i32
    %min3A_1 = arith.minsi %add3A_0, %min3A : i32
    %c0_i32 = arith.constant 0 : i32
    %c0_i32_2 = arith.constant 0 : i32
    return %min3A_1, %c0_i32 : i32, i32
  }
  func.func @transform_2(%arg0: i32) -> (i32, i32) {
    %c0_i32 = arith.constant 0 : i32
    %c0_i32_0 = arith.constant 0 : i32
    %c0_i32_1 = arith.constant 0 : i32
    return %c0_i32, %c0_i32_0 : i32, i32
  }
  func.func @transform_3(%arg0: i32) -> (i32, i32) {
    %c0_i32 = arith.constant 0 : i32
    %c0_i32_0 = arith.constant 0 : i32
    %c0_i32_1 = arith.constant 0 : i32
    return %c0_i32, %c0_i32_0 : i32, i32
  }
  func.func @transform_4(%arg0: i32) -> (i32, i32) {
    %c0_i32 = arith.constant 0 : i32
    %c0_i32_0 = arith.constant 0 : i32
    %c0_i32_1 = arith.constant 0 : i32
    return %c0_i32, %c0_i32_0 : i32, i32
  }
}

module attributes {stable_mosaic.version = 14 : i64} {
  func.func @_tx_body(%arg0: i32, %arg1: memref<4976x64xf32, #tpu.memory_space<vmem>>, %arg2: memref<4976x64xf32, #tpu.memory_space<vmem>>, %arg3: memref<8x64xf32, #tpu.memory_space<vmem>>, %arg4: memref<4976x64xf32, #tpu.memory_space<vmem>>, %arg5: memref<4976x64xf32, #tpu.memory_space<vmem>>, %arg6: memref<256x64xf32, #tpu.memory_space<vmem>>, %arg7: memref<256x64xf32, #tpu.memory_space<vmem>>) attributes {dimension_semantics = [#tpu.dimension_semantics<arbitrary>], iteration_bounds = array<i64: 7>, scalar_prefetch = 0 : i64, scratch_operands = 0 : i64, tpu.core_type = #tpu.core_type<tc>, window_params = [{transform_indices = @transform_0, window_bounds = array<i64: 4976, 64>}, {transform_indices = @transform_1, window_bounds = array<i64: 4976, 64>}, {pipeline_mode = #tpu.pipeline_mode<synchronous>, transform_indices = @transform_2, window_bounds = array<i64: 8, 64>}, {transform_indices = @transform_3, window_bounds = array<i64: 4976, 64>}, {transform_indices = @transform_4, window_bounds = array<i64: 4976, 64>}, {pipeline_mode = #tpu.pipeline_mode<synchronous>, transform_indices = @transform_5, window_bounds = array<i64: 256, 64>}, {pipeline_mode = #tpu.pipeline_mode<synchronous>, transform_indices = @transform_6, window_bounds = array<i64: 256, 64>}]} {
    %get3A = arith.constant 0 : index
    %get3A_0 = arith.constant 0 : index
    %get3A_1 = vector.load %arg1[%get3A, %get3A_0] : memref<4976x64xf32, #tpu.memory_space<vmem>>, vector<4976x64xf32>
    %get3A_2 = arith.constant 0 : index
    %get3A_3 = arith.constant 0 : index
    %get3A_4 = vector.load %arg2[%get3A_2, %get3A_3] : memref<4976x64xf32, #tpu.memory_space<vmem>>, vector<4976x64xf32>
    %slice3A = vector.extract_strided_slice %get3A_1 {offsets = [1, 0], sizes = [4975, 64], strides = [1, 1]} : vector<4976x64xf32> to vector<4975x64xf32>
    %slice3A_5 = vector.extract_strided_slice %get3A_4 {offsets = [0, 0], sizes = [1, 64], strides = [1, 1]} : vector<4976x64xf32> to vector<1x64xf32>
    %concatenate3A = tpu.concatenate %slice3A, %slice3A_5 in 0 : vector<4975x64xf32>, vector<1x64xf32> -> vector<4976x64xf32>
    %get3A_6 = arith.constant 0 : index
    %get3A_7 = arith.constant 0 : index
    %get3A_8 = vector.load %arg3[%get3A_6, %get3A_7] : memref<8x64xf32, #tpu.memory_space<vmem>>, vector<1x64xf32>
    %get3A_9 = arith.constant 1 : index
    %get3A_10 = arith.constant 0 : index
    %get3A_11 = vector.load %arg3[%get3A_9, %get3A_10] : memref<8x64xf32, #tpu.memory_space<vmem>>, vector<1x64xf32>
    %get3A_12 = arith.constant 2 : index
    %get3A_13 = arith.constant 0 : index
    %get3A_14 = vector.load %arg3[%get3A_12, %get3A_13] : memref<8x64xf32, #tpu.memory_space<vmem>>, vector<1x64xf32>
    %get3A_15 = arith.constant 3 : index
    %get3A_16 = arith.constant 0 : index
    %get3A_17 = vector.load %arg3[%get3A_15, %get3A_16] : memref<8x64xf32, #tpu.memory_space<vmem>>, vector<1x64xf32>
    %mul3A = vector.broadcast %get3A_8 : vector<1x64xf32> to vector<4976x64xf32>
    %mul3A_18 = arith.mulf %get3A_1, %mul3A : vector<4976x64xf32>
    %add3A = vector.broadcast %get3A_11 : vector<1x64xf32> to vector<4976x64xf32>
    %add3A_19 = arith.addf %mul3A_18, %add3A : vector<4976x64xf32>
    %swap3A = arith.constant 0 : index
    %swap3A_20 = arith.constant 0 : index
    %swap3A_21 = vector.load %arg4[%swap3A, %swap3A_20] : memref<4976x64xf32, #tpu.memory_space<vmem>>, vector<4976x64xf32>
    tpu.vector_store %arg4[%swap3A, %swap3A_20], %add3A_19 {strides = array<i32>} : memref<4976x64xf32, #tpu.memory_space<vmem>>, vector<4976x64xf32>,
    %iota3A = tpu.iota {dimensions = array<i32: 1>} : vector<4976x64xi32>
    %lt3A = arith.constant 3 : i32
    %lt3A_22 = vector.broadcast %lt3A : i32 to vector<4976x64xi32>
    %lt3A_23 = arith.cmpi slt, %iota3A, %lt3A_22 : vector<4976x64xi32>
    %sub3A = arith.subf %get3A_1, %concatenate3A : vector<4976x64xf32>
    %select_n3A = arith.select %lt3A_23, %sub3A, %concatenate3A : vector<4976x64xi1>, vector<4976x64xf32>
    %mul3A_24 = vector.broadcast %get3A_14 : vector<1x64xf32> to vector<4976x64xf32>
    %mul3A_25 = arith.mulf %select_n3A, %mul3A_24 : vector<4976x64xf32>
    %add3A_26 = vector.broadcast %get3A_17 : vector<1x64xf32> to vector<4976x64xf32>
    %add3A_27 = arith.addf %mul3A_25, %add3A_26 : vector<4976x64xf32>
    %swap3A_28 = arith.constant 0 : index
    %swap3A_29 = arith.constant 0 : index
    %swap3A_30 = vector.load %arg5[%swap3A_28, %swap3A_29] : memref<4976x64xf32, #tpu.memory_space<vmem>>, vector<4976x64xf32>
    tpu.vector_store %arg5[%swap3A_28, %swap3A_29], %add3A_27 {strides = array<i32>} : memref<4976x64xf32, #tpu.memory_space<vmem>>, vector<4976x64xf32>,
    %eq3A = arith.constant 0 : i32
    %eq3A_31 = arith.cmpi eq, %arg0, %eq3A : i32
    %convert_element_type3A = arith.extui %eq3A_31 : i1 to i32
    %cond3A = arith.constant 0 : i32
    %cond3A_32 = arith.cmpi ne, %convert_element_type3A, %cond3A : i32
    scf.if %cond3A_32 {
      %broadcast_in_dim3A = vector.shape_cast %get3A_11 : vector<1x64xf32> to vector<1x64xf32>
      %broadcast_in_dim3A_33 = vector.broadcast %broadcast_in_dim3A : vector<1x64xf32> to vector<256x64xf32>
      %swap3A_34 = arith.constant 0 : index
      %swap3A_35 = arith.constant 0 : index
      %swap3A_36 = vector.load %arg6[%swap3A_34, %swap3A_35] : memref<256x64xf32, #tpu.memory_space<vmem>>, vector<256x64xf32>
      tpu.vector_store %arg6[%swap3A_34, %swap3A_35], %broadcast_in_dim3A_33 {strides = array<i32>} : memref<256x64xf32, #tpu.memory_space<vmem>>, vector<256x64xf32>,
      %broadcast_in_dim3A_37 = vector.shape_cast %get3A_17 : vector<1x64xf32> to vector<1x64xf32>
      %broadcast_in_dim3A_38 = vector.broadcast %broadcast_in_dim3A_37 : vector<1x64xf32> to vector<256x64xf32>
      %swap3A_39 = arith.constant 0 : index
      %swap3A_40 = arith.constant 0 : index
      %swap3A_41 = vector.load %arg7[%swap3A_39, %swap3A_40] : memref<256x64xf32, #tpu.memory_space<vmem>>, vector<256x64xf32>
      tpu.vector_store %arg7[%swap3A_39, %swap3A_40], %broadcast_in_dim3A_38 {strides = array<i32>} : memref<256x64xf32, #tpu.memory_space<vmem>>, vector<256x64xf32>,
    } else {
    }
    return
  }
  func.func @transform_0(%arg0: i32) -> (i32, i32) {
    %c0_i32 = arith.constant 0 : i32
    %c0_i32_0 = arith.constant 0 : i32
    return %arg0, %c0_i32 : i32, i32
  }
  func.func @transform_1(%arg0: i32) -> (i32, i32) {
    %add3A = arith.constant 1 : i32
    %add3A_0 = arith.addi %arg0, %add3A : i32
    %min3A = arith.constant 6 : i32
    %min3A_1 = arith.minsi %add3A_0, %min3A : i32
    %c0_i32 = arith.constant 0 : i32
    %c0_i32_2 = arith.constant 0 : i32
    return %min3A_1, %c0_i32 : i32, i32
  }
  func.func @transform_2(%arg0: i32) -> (i32, i32) {
    %c0_i32 = arith.constant 0 : i32
    %c0_i32_0 = arith.constant 0 : i32
    %c0_i32_1 = arith.constant 0 : i32
    return %c0_i32, %c0_i32_0 : i32, i32
  }
  func.func @transform_3(%arg0: i32) -> (i32, i32) {
    %c0_i32 = arith.constant 0 : i32
    %c0_i32_0 = arith.constant 0 : i32
    return %arg0, %c0_i32 : i32, i32
  }
  func.func @transform_4(%arg0: i32) -> (i32, i32) {
    %c0_i32 = arith.constant 0 : i32
    %c0_i32_0 = arith.constant 0 : i32
    return %arg0, %c0_i32 : i32, i32
  }
  func.func @transform_5(%arg0: i32) -> (i32, i32) {
    %c0_i32 = arith.constant 0 : i32
    %c0_i32_0 = arith.constant 0 : i32
    %c0_i32_1 = arith.constant 0 : i32
    return %c0_i32, %c0_i32_0 : i32, i32
  }
  func.func @transform_6(%arg0: i32) -> (i32, i32) {
    %c0_i32 = arith.constant 0 : i32
    %c0_i32_0 = arith.constant 0 : i32
    %c0_i32_1 = arith.constant 0 : i32
    return %c0_i32, %c0_i32_0 : i32, i32
  }
}

</mosaic_0001>

<sc_bundles>
// kernel: kernel.5.cloned.1.call-start
scs
__scs_entry_jumppad:
0x0: {  	(pc) =	sbr.rel $0x88, $3  }
0x1: {  	(tag) =	ssettag $0x0;
	lr =	simm.s32 $0x1  }
0x2: {  	[smem:$0x3F9E] =	sst lr;
	_ =	strace $0xD0000000  }
0x3: {  	_ = 	snop  }
0x4: {  	_ = 	snop  }
0x5: {  	_ = 	snop  }
0x6: {  	_ = 	snop  }
0x7: {  	_ = 	snop  }
__scs_overlays_trampoline_lowered:
0x8: {  	[smem:$0x3FAD] =	sst s0  }
0x9: {  	[smem:$0x3FAE] =	sst s1  }
0xa: {  	[smem:$0x3FAF] =	sst s2  }
0xb: {  	[smem:$0x3FB0] =	sst s3  }
0xc: {  	[smem:$0x3FB1] =	sst s4  }
0xd: {  	[smem:$0x3FB2] =	sst s5  }
0xe: {  	[smem:$0x3FB3] =	sst s6  }
0xf: {  	[smem:$0x3FB4] =	sst s7  }
0x10: {  	[smem:$0x3FB5] =	sst s8  }
0x11: {  	[smem:$0x3FB6] =	sst s9;
	s0 =	simm.s32 @!p0 $0x0  }
0x12: {  	s1 =	sld [smem:$0x3F9C];
	s0 =	simm.s32 @p0 $0x1  }
0x13: {  	[smem:$0x3FB7] =	sst s0;
	s0 =	simm.s32 @!p1 $0x0  }
0x14: {  	s2 =	sld [smem:$0x3F9B];
	s0 =	simm.s32 @p1 $0x1  }
0x15: {  	[smem:$0x3FB8] =	sst s0;
	s0 =	simm.s32 @!p2 $0x0  }
0x16: {  	s3 =	sld [smem:$0x3FDB];
	s0 =	simm.s32 @p2 $0x1  }
0x17: {  	s4 =	simm.s32 $0x1BF5;
	[smem:$0x3FBA] =	sst s0  }
0x18: {  	s0 =	sld [smem:$0x3F9D];
	_ =	swait.ge [sflag:s4], $0x0  }
0x19: {  	s7 =	sld [smem:$0x3F9E]  }
0x1a: {  	s8 =	sadd.s32 $0xFFFFE003, lr  }
0x1b: {  	s9 =	sadd.s32 $0xFFFFFEF7, lr;
	s5 =	simm.s32 $0xFFFFFFFF;
	p2 =	slt.u32 s8, $0xFFFFF086  }
0x1c: {  	p1 =	slt.u32 s9, $0xF7A;
	s5 =	simm.s32 @!p2 $0x0  }
0x1d: {  	s5 =	simm.s32 @p1 $0x1;
	p0 =	seq.s32 s7, s2  }
0x1e: {  	s7 =	smul.u32 @!p0 $0xF7A, s2;
	p2 =	seq.s32 @!p0 s5, $0x0  }
0x1f: {  	s9 =	smul.u32 $0xF7A, s1;
	s8 =	simm.s32 @!p0 $0x1BF5;
	p2 =	por !p2, p0  }
0x20: {  	[sflag:s8] =	ssyncset.s32 @!p0 $0xFFFFF086;
	s6 =	sadd.s32 @!p0 s3, s7;
	s7 =	simm.s32 @!p0 $0x108  }
0x21: {  	s3 =	sadd.s32 s3, s9;
	s6 =	sadd.s32 @!p0 $0x88, s6;
	s7 =	simm.s32 @p2 $0x1082  }
0x22: {  	[simem:s7], [sflag:s8] =	dma.local @!p0 [hbm:s6], $0xF7A  }
0x23: {  	s9 =	sor.u32 $0xD0000000, s2;
	s6 =	simm.s32 $0x108;
	_ =	swait.ge @!p0 [sflag:s8], $0x0  }
0x24: {  	s3 =	sadd.s32 $0x88, s3;
	s6 =	simm.s32 @!p1 $0x1082;
	[sflag:s4] =	ssyncset.s32 $0xFFFFF086  }
0x25: {  	[simem:s6], [sflag:s4] =	dma.local [hbm:s3], $0xF7A  }
0x26: {  	[smem:$0x3F9E] =	sst s1;
	(tag) =	ssettag s2;
	_ =	strace s9  }
0x27: {  	s1 =	sld [smem:$0x3FAE]  }
0x28: {  	s2 =	sld [smem:$0x3FAF]  }
0x29: {  	s4 =	sld [smem:$0x3FB1]  }
0x2a: {  	p0 =	seq.s32 s5, $0x0;
	s5 =	sld [smem:$0x3FB2]  }
0x2b: {  	s6 =	sld [smem:$0x3FB3]  }
0x2c: {  	s7 =	sld [smem:$0x3FB4]  }
0x2d: {  	s3 =	simm.s32 $0x108;
	s8 =	sld [smem:$0x3FB5]  }
0x2e: {  	s3 =	simm.s32 @!p0 $0x1082;
	s9 =	sld [smem:$0x3FB6]  }
0x2f: {  	lr =	sadd.s32 s0, s3;
	s0 =	sld [smem:$0x3FAD]  }
0x30: {  	s3 =	sld [smem:$0x3FB0]  }
0x31: {  	[smem:$0x3FB9] =	sst s10  }
0x32: {  	s10 =	sld [smem:$0x3FB7];
	_ =	sdelay $0x3  }
0x33: {  	p0 =	seq.s32 s10, $0x1;
	s10 =	sld [smem:$0x3FB9];
	_ =	sdelay $0x3  }
0x34: {  	[smem:$0x3FB9] =	sst s10  }
0x35: {  	s10 =	sld [smem:$0x3FB8];
	_ =	sdelay $0x3  }
0x36: {  	p1 =	seq.s32 s10, $0x1;
	s10 =	sld [smem:$0x3FB9];
	_ =	sdelay $0x3  }
0x37: {  	[smem:$0x3FB9] =	sst s10  }
0x38: {  	s10 =	sld [smem:$0x3FBA]  }
0x39: {  	_ = 	snop;
	(pc) =	sbr.ind lr, $3  }
0x3a: {  	_ = 	snop  }
0x3b: {  	_ = 	snop  }
0x3c: {  	p2 =	seq.s32 s10, $0x1;
	s10 =	sld [smem:$0x3FB9]  }
0x3d: {  	_ =	shalt  }
0x3e: {  	_ =	shalt  }
0x3f: {  	_ =	shalt  }
0x40: {  	_ =	shalt  }
0x41: {  	_ =	shalt  }
0x42: {  	_ =	shalt  }
0x43: {  	_ =	shalt  }
0x44: {  	_ =	shalt  }
0x45: {  	_ =	shalt  }
0x46: {  	_ =	shalt  }
0x47: {  	_ =	shalt  }
0x48: {  	_ =	shalt  }
0x49: {  	_ =	shalt  }
0x4a: {  	_ =	shalt  }
0x4b: {  	_ =	shalt  }
0x4c: {  	_ =	shalt  }
0x4d: {  	_ =	shalt  }
0x4e: {  	_ =	shalt  }
0x4f: {  	_ =	shalt  }
0x50: {  	_ =	shalt  }
0x51: {  	_ =	shalt  }
0x52: {  	_ =	shalt  }
0x53: {  	_ =	shalt  }
0x54: {  	_ =	shalt  }
0x55: {  	_ =	shalt  }
0x56: {  	_ =	shalt  }
0x57: {  	_ =	shalt  }
0x58: {  	_ =	shalt  }
0x59: {  	_ =	shalt  }
0x5a: {  	_ =	shalt  }
0x5b: {  	_ =	shalt  }
0x5c: {  	_ =	shalt  }
0x5d: {  	_ =	shalt  }
0x5e: {  	_ =	shalt  }
0x5f: {  	_ =	shalt  }
0x60: {  	_ =	shalt  }
0x61: {  	_ =	shalt  }
0x62: {  	_ =	shalt  }
0x63: {  	_ =	shalt  }
0x64: {  	_ =	shalt  }
0x65: {  	_ =	shalt  }
0x66: {  	_ =	shalt  }
0x67: {  	_ =	shalt  }
0x68: {  	_ =	shalt  }
0x69: {  	_ =	shalt  }
0x6a: {  	_ =	shalt  }
0x6b: {  	_ =	shalt  }
0x6c: {  	_ =	shalt  }
0x6d: {  	_ =	shalt  }
0x6e: {  	_ =	shalt  }
0x6f: {  	_ =	shalt  }
0x70: {  	_ =	shalt  }
0x71: {  	_ =	shalt  }
0x72: {  	_ =	shalt  }
0x73: {  	_ =	shalt  }
0x74: {  	_ =	shalt  }
0x75: {  	_ =	shalt  }
0x76: {  	_ =	shalt  }
0x77: {  	_ =	shalt  }
0x78: {  	_ =	shalt  }
0x79: {  	_ =	shalt  }
0x7a: {  	_ =	shalt  }
0x7b: {  	_ =	shalt  }
0x7c: {  	_ =	shalt  }
0x7d: {  	_ =	shalt  }
0x7e: {  	_ =	shalt  }
0x7f: {  	_ =	shalt  }
0x80: {  	_ =	shalt  }
0x81: {  	_ =	shalt  }
0x82: {  	_ =	shalt  }
0x83: {  	_ =	shalt  }
0x84: {  	_ =	shalt  }
0x85: {  	_ =	shalt  }
0x86: {  	_ =	shalt  }
0x87: {  	_ =	shalt  }
.Lfunc_end0:
.L_simem_size_0:
called_computation_lowered:
.L_overlay_start_0:
0x88: {  	s2 =	sld [smem:$0x3FD9]  }
0x89: {  	s3 =	sld [smem:$0x3FFE];
	_ =	sdelay $0x1  }
0x8a: {  	s1 =	srdreg.scid  }
0x8b: {  	s0 =	sand.u32 $0x1, s1  }
0x8c: {  	s14 =	sshll.u32 s0, $0xA;
	s2 =	sadd.s32 s3, s2  }
0x8d: {  	s2 =	sadd.s32 s2, s14  }
0x8e: {  	[smem:$0x3FC5] =	sst s2  }
0x8f: {  	_ = 	snop  }
0x90: {  	s2 =	sld [smem:$0x3FD0];
	_ =	sdelay $0x2  }
0x91: {  	s15 =	simm.s32 $0xA;
	s4 =	simm.s32 $0x10  }
0x92: {  	[smem:s4], [sflag:s15] =	dma.local [hbm:s2], $0x1  }
0x93: {  	_ =	swait.eq [sflag:s15], $0x1  }
0x94: {  	s16 =	sld [smem:$0x10];
	[sflag:s15] =	ssyncset.done $0x0  }
0x95: {  	s17 =	sld [smem:$0x11];
	[sflag:s15] =	ssyncadd.s32 $0xFFFFFFFF  }
0x96: {  	s18 =	sld [smem:$0x12];
	(tm) =	ssettm $0x1  }
0x97: {  	s5 =	sld [smem:$0x3FFB];
	_ =	sdelay $0x3  }
0x98: {  	_ =	strace s5  }
0x99: {  	s5 =	sld [smem:$0x3FFC];
	_ =	sdelay $0x3  }
0x9a: {  	_ =	strace s5  }
0x9b: {  	s5 =	sld [smem:$0x3FFD];
	_ =	sdelay $0x3  }
0x9c: {  	_ =	strace s5  }
0x9d: {  	_ =	strace $0x8FFFFFFF  }
0x9e: {  	s19 =	sld [smem:$0x3FDB];
	_ =	sdelay $0x1  }
0x9f: {  	s6 =	simm.s32 $_scs_section_size  }
0xa0: {  	s7 =	simm.s32 $_size__tile_overlayer_lowered;
	s8 =	simm.s32 $_tile_overlayer_lowered  }
0xa1: {  	s22 =	simm.s32 $0x1BFF;
	s21 =	sshll.u32 s8, $0x1;
	s5 =	sadd.s32 s6, s19  }
0xa2: {  	s9 =	simm.s32 $0x0;
	s20 =	sshll.u32 s7, $0x1;
	s7 =	sadd.s32 s21, s5  }
0xa3: {  	[timem:s9], [sflag:s22] =	dma.local [hbm:s7], s20  }
0xa4: {  	_ =	swait.ge [sflag:s22], s20  }
0xa5: {  	s6 =	ssub.s32 $0x0, s20;
	[sflag:s22] =	ssyncset.done $0x0  }
0xa6: {  	[sflag:s22] =	ssyncadd.s32 s6;
	_ =	sdelay $0x1  }
0xa7: {  	s23 =	simm.s32 $0x1B8B  }
0xa8: {  	_ =	swait.ge [sflag:s23], $0x1  }
0xa9: {  	[sflag:s23] =	ssyncset.done $0x0  }
0xaa: {  	s25 =	simm.s32 $0x1B8E;
	s24 =	sld [smem:$0x3FFE];
	[sflag:s23] =	ssyncadd.s32 $0xFFFFFFFF  }
0xab: {  	s26 =	simm.s32 $execute0_lowered;
	[smem:$0x3FD2] =	sst s25  }
0xac: {  	s7 =	sshll.u32 s26, $0x1;
	_ =	strace $0x80000046;
	[dreg:$0x1] =	wrdreg $0xFFFFFFFF  }
0xad: {  	s28 =	simm.s32 $_size_execute0_lowered;
	s5 =	sadd.s32 s5, s7;
	[dreg:$0x0] =	wrdreg $0x0  }
0xae: {  	s7 =	sshll.u32 s28, $0x1;
	[dreg:$0x2] =	wrdreg s5  }
0xaf: {  	[dreg:$0x3] =	wrdreg s7  }
0xb0: {  	[dreg:$0x4] =	wrdreg $0xC0  }
0xb1: {  	_ =	task [dreg:s9], $0x5FFFF  }
0xb2: {  	[dreg:$0x1] =	wrdreg $0xFFFFFFFF  }
0xb3: {  	[dreg:$0x0] =	wrdreg $0x60  }
0xb4: {  	[dreg:$0x2] =	wrdreg s16  }
0xb5: {  	[dreg:$0x3] =	wrdreg s24  }
0xb6: {  	[dreg:$0x4] =	wrdreg s17  }
0xb7: {  	[dreg:$0x5] =	wrdreg s18  }
0xb8: {  	[dreg:$0x6] =	wrdreg $0x9  }
0xb9: {  	_ =	task.clear_ibuf [dreg:s9], $0x7FFFF;
	_ =	strace $0x90000046  }
0xba: {  	s29 =	simm.s32 $0x9;
	_ =	strace $0x80000048  }
0xbb: {  	_ =	swait.ge [sflag:s29], $0x1  }
0xbc: {  	[sflag:s29] =	ssyncadd.s32 $0xFFFFFFFF  }
0xbd: {  	_ =	strace $0x90000048  }
0xbe: {  	_ =	sfence  }
0xbf: {  	s30 =	sld [smem:$0x0];
	_ =	sdelay $0x2  }
0xc0: {  	s31 =	sshll.u32 s1, $0xD;
	s1 =	sshrl.u32 s1, $0x2  }
0xc1: {  	s3 =	sand.u32 $0x4000, s31;
	s1 =	sadd.s32 s1, s30  }
0xc2: {  	s0 =	sor.u32 s3, s0;
	s1 =	sshll.u32 s1, $0x11  }
0xc3: {  	s0 =	sor.u32 s1, s0  }
0xc4: {  	s0 =	sadd.s32 $0x8F2B, s0  }
0xc5: {  	[sflag:s0] =	ssyncadd.remote.s32 $0x1  }
0xc6: {  	_ =	sfence.sel $0xFFFF  }
0xc7: {  	[dreg:$0x0] =	wrdreg $0xFFFFFFFF;
	(pc) =	sbr.abs _section_cstart, $3  }
0xc8: {  	[dreg:$0x1] =	wrdreg $0xFFFFFFFF  }
0xc9: {  	_ =	task.clear_ibuf [dreg:s9], $0x2FFFF;
	_ =	strace $0x9FFFFFFF  }
0xca: {  	(tm) =	ssettm $0x7FFFFFFF  }
0xcb: {  	_ =	shalt  }
tec
execute0_lowered:
.L_overlay_start_1:
0x0: {  	(tag) =	ssettag $0x1  }
0x1: {  	s1 =	srdreg.scid  }
0x2: {  	s0 =	stileid.u32;
	s10 =	rddreg [dreg:$0x1]  }
0x3: {  	s2 =	simm.s32 $0x1;
	s14 =	rddreg [dreg:$0x2];
	s20 =	sand.u32 $0x1, s1  }
0x4: {  	s12 =	rddreg [dreg:$0x3];
	s4 =	simm.s32 $0x0;
	s1 =	sor.u32 s20, s0  }
0x5: {  	s8 =	simm.s32 $0x1;
	p0 =	seq.s32 s20, $0x1;
	p1 =	seq.s32 s1, $0x0  }
0x6: {  	[smem:$0x7FF] =	sst s4;
	s19 =	sshll.u32 s0, $0x8;
	p1 =	por !p1, !p0  }
0x7: {  	s17 =	ssub.s32 $0x2, s20;
	s23 =	sadd.s32 $0x100, s19;
	p1 =	por !p1, !p1  }
0x8: {  	s19 =	simm.s32 $0x8000;
	s30 =	sshrl.u32 s17, $0x1;
	s2 =	simm.s32 @!p1 $0x0  }
0x9: {  	s1 =	rddreg [dreg:$0x0];
	s17 =	ssub.s32 s17, s30;
	s3 =	ssub.s32 s0, s2  }
0xa: {  	s2 =	sshll.u32 s3, $0x7;
	p1 =	sne.s32 s3, $0x0;
	s15 =	sshll.u32 s3, $0xF  }
0xb: {  	s21 =	smul.u32 $0x201, s3;
	s5 =	sadd.s32 $0x81, s2;
	s2 =	rddreg [dreg:$0x4]  }
0xc: {  	_ =	strace $0x80000047;
	s15 =	sand.u32 $0x1FFF8000, s15;
	s11 =	smul.u32 s3, s5  }
0xd: {  	s5 =	simm.s32 $0x1;
	s18 =	sadd.s32 s15, s10;
	s12 =	sadd.s32 s12, s21  }
0xe: {  	s14 =	sadd.s32 s15, s14;
	s21 =	simm.s32 $0x0;
	s5 =	simm.s32 @!p1 $0x0  }
0xf: {  	s6 =	sshll.u32 s11, $0x10;
	s7 =	sshra.s32 s11, $0x1F;
	s28 =	sand.u32 $0x7, s11  }
0x10: {  	s22 =	sshll.u32 s11, $0x2;
	s6 =	sshra.s32 s6, $0x1F;
	s5 =	sor.u32 s5, s7  }
0x11: {  	p2 =	sne.s32 s28, $0x0;
	s6 =	sand.u32 $0x7, s6;
	p6 =	sne.s32 s5, $0x1  }
0x12: {  	s7 =	sadd.s32 $0x47000, s10;
	s29 =	sadd.s32 s6, s11;
	p1 =	por !p2, !p6  }
0x13: {  	s5 =	sadd.s32 $0x2600, s10;
	s6 =	sshll.u32 s29, $0x10;
	p1 =	por !p1, !p1  }
0x14: {  	s9 =	sshra.s32 s6, $0x13;
	s8 =	simm.s32 @!p1 $0x0;
	s6 =	sadd.s32 $0x46800, s10  }
0x15: {  	p1 =	seq.s32 s20, $0x0;
	s20 =	simm.s32 $0x9080;
	s13 =	ssub.s32 s9, s8  }
.Ltmp0:
0x16: {  	s8 =	simm.s32 $0x1;
	s9 =	sand.u32 $0x1FFFFFFF, s13;
	(pc) =	sbr.rel .LBB2_1-.Ltmp0, $4  }
0x17: {  	s13 =	sshll.u32 s13, $0x5;
	s16 =	sadd.s32 s9, s10;
	s9 =	sadd.s32 $0x47800, s10  }
0x18: {  	s10 =	sshll.u32 s11, $0x6;
	s31 =	ssub.s32 s22, s13;
	s13 =	smax.u32 s17, $0x1  }
0x19: {  	s17 =	simm.s32 $0x4000;
	s11 =	sadd.s32 $0x8A800, s16;
	s16 =	sshra.s32 s31, $0x2  }
0x1a: {  	v1 =	vlaneseq.u32;
	v0 =	vmov s23;
	s15 =	sadd.s32 $0x8000, s16;
	s16 =	sadd.s32 $0x8BA00, s18;
	s18 =	simm.s32 $0xA100  }
.LBB2_10:
0x1b: {  	s21 =	sadd.s32 $0x1, s21  }
0x1c: {  	p2 =	sne.s32 s21, s13  }
.Ltmp1:
0x1d: {  	_ = 	snop;
	(pc) =	sbr.rel @!p2 .LBB2_11-.Ltmp1, $1  }
0x1e: {  	_ =	sdelay $0x3  }
.LBB2_1:
.Ltmp2:
0x1f: {  	(pc) =	sbr.rel @p0 .LBB2_7-.Ltmp2, $1  }
0x20: {  	_ =	sdelay $0x3  }
0x21: {  	s22 =	simm.s32 $0x0  }
0x22: {  	[tilespmem:s17], [sflag:$0x1] =	stream.linear.gather [hbm4b:s6+s22], $0x4000, $0x38;
	[tilespmem:$0xA180] =	vst v63  }
0x23: {  	p2 =	slt.s32 s3, $0x0;
	_ =	swait.ge [sflag:s8], $0x4000  }
0x24: {  	s22 =	simm.s32 @p2 $0x0;
	[sflag:s8] =	ssyncset.done $0x0  }
0x25: {  	s23 =	simm.s32 @p2 $0x4000;
	s24 =	sshrl.u32 @!p2 s10, $0x3;
	[sflag:s8] =	ssyncadd.s32 $0xFFFFC000  }
0x26: {  	[hbm4b:s14+s22] =	stream.linear.scatter @p2 [tilespmem:s23], [sflag:$0x1], $0x4000, $0x38;
	[tilespmem:$0xA180] =	vst v63  }
0x27: {  	s22 =	sadd.s32 @!p2 s1, s24;
	s24 =	simm.s32 @!p2 $0x0;
	s23 =	simm.s32 @!p2 $0x2  }
0x28: {  	[tilespmem:s24], [sflag:$0x2] =	stream.linear.gather @!p2 [hbm4b:s22+s24], $0x4000, $0x38;
	[tilespmem:$0xA180] =	vst v63  }
0x29: {  	_ =	swait.ge @!p2 [sflag:s23], $0x4000  }
0x2a: {  	s25 =	sadd.s32 $0x4000, s10;
	[sflag:s23] =	ssyncset.done @!p2 $0x0  }
0x2b: {  	s22 =	sadd.s32 $0x800, s14;
	[sflag:s23] =	ssyncadd.s32 @!p2 $0xFFFFC000;
	s23 =	simm.s32 @p2 $0x1  }
0x2c: {  	[hbm4b:s14+s24] =	stream.linear.scatter @!p2 [tilespmem:s24], [sflag:$0x2], $0x4000, $0x38;
	[tilespmem:$0xA180] =	vst v63  }
0x2d: {  	s24 =	simm.s32 $0x2;
	p2 =	slt.s32 s3, $0x1;
	_ =	swait.ge [sflag:s23], $0x4000  }
.LBB2_3:
0x2e: {  	s26 =	simm.s32 @p2 $0x0;
	s28 =	simm.s32 @p2 $0x4000;
	[sflag:s23] =	ssyncset.done $0x0  }
0x2f: {  	s29 =	smov.u32 s24;
	s30 =	smov.u32 s22;
	s24 =	sadd.s32 $0x1, s24  }
0x30: {  	s31 =	sshrl.u32 @!p2 s25, $0x3;
	[sflag:s23] =	ssyncadd.s32 $0xFFFFC000;
	s23 =	simm.s32 @!p2 $0x2  }
0x31: {  	[hbm4b:s22+s26] =	stream.linear.scatter @p2 [tilespmem:s28], [sflag:$0x1], $0x4000, $0x38;
	[tilespmem:$0xA180] =	vst v63  }
0x32: {  	p3 =	sne.s32 s24, $0x10;
	s26 =	sadd.s32 @!p2 s1, s31;
	s28 =	simm.s32 @!p2 $0x0  }
0x33: {  	[tilespmem:s28], [sflag:$0x2] =	stream.linear.gather @!p2 [hbm4b:s26+s28], $0x4000, $0x38;
	[tilespmem:$0xA180] =	vst v63  }
.Ltmp3:
0x34: {  	_ =	swait.ge @!p2 [sflag:s23], $0x4000;
	(pc) =	sbr.rel @p3 .LBB2_3-.Ltmp3, $4  }
0x35: {  	[sflag:s23] =	ssyncset.done @!p2 $0x0  }
0x36: {  	s22 =	sadd.s32 $0x800, s22;
	[sflag:s23] =	ssyncadd.s32 @!p2 $0xFFFFC000;
	s23 =	simm.s32 @p2 $0x1  }
0x37: {  	[hbm4b:s30+s28] =	stream.linear.scatter @!p2 [tilespmem:s28], [sflag:$0x2], $0x4000, $0x38;
	[tilespmem:$0xA180] =	vst v63  }
0x38: {  	s25 =	sadd.s32 $0x4000, s25;
	p2 =	sgt.s32 s29, s3;
	_ =	swait.ge [sflag:s23], $0x4000  }
0x39: {  	s24 =	simm.s32 @p2 $0x0;
	[sflag:s23] =	ssyncset.done $0x0  }
0x3a: {  	s26 =	simm.s32 @p2 $0x4000;
	s25 =	sshrl.u32 @!p2 s25, $0x3;
	[sflag:s23] =	ssyncadd.s32 $0xFFFFC000  }
0x3b: {  	[hbm4b:s22+s24] =	stream.linear.scatter @p2 [tilespmem:s26], [sflag:$0x1], $0x4000, $0x38;
	[tilespmem:$0xA180] =	vst v63  }
0x3c: {  	s23 =	sadd.s32 @!p2 s1, s25;
	s25 =	simm.s32 @!p2 $0x2;
	s24 =	simm.s32 @!p2 $0x0  }
0x3d: {  	[tilespmem:s24], [sflag:$0x2] =	stream.linear.gather @!p2 [hbm4b:s23+s24], $0x4000, $0x38;
	[tilespmem:$0xA180] =	vst v63  }
0x3e: {  	_ =	swait.ge @!p2 [sflag:s25], $0x4000  }
0x3f: {  	[sflag:s25] =	ssyncset.done @!p2 $0x0  }
0x40: {  	[sflag:s25] =	ssyncadd.s32 @!p2 $0xFFFFC000;
	s25 =	simm.s32 @p2 $0x1  }
0x41: {  	[hbm4b:s22+s24] =	stream.linear.scatter @!p2 [tilespmem:s24], [sflag:$0x2], $0x4000, $0x38;
	[tilespmem:$0xA180] =	vst v63  }
0x42: {  	_ =	swait.ge [sflag:s25], $0x4000  }
0x43: {  	[sflag:s25] =	ssyncset.done $0x0  }
0x44: {  	s31 =	simm.s32 $0x0;
	[sflag:s25] =	ssyncadd.s32 $0xFFFFC000  }
0x45: {  	[tilespmem:s18], [sflag:$0x1] =	stream.linear.gather [hbm4b:s9+s31], $0x80, $0x38;
	[tilespmem:$0xA180] =	vst v63  }
0x46: {  	_ =	swait.ge [sflag:s8], $0x80  }
0x47: {  	[sflag:s8] =	ssyncset.done $0x0  }
0x48: {  	[sflag:s8] =	ssyncadd.s32 $0xFFFFFF80  }
0x49: {  	[tilespmem:s19], [sflag:$0x1] =	stream.linear.gather [hbm4b:s11+s31], $0x1010, $0x38;
	[tilespmem:$0xA180] =	vst v63  }
0x4a: {  	_ =	swait.ge [sflag:s8], $0x1010  }
0x4b: {  	[sflag:s8] =	ssyncset.done $0x0  }
0x4c: {  	[sflag:s8] =	ssyncadd.s32 $0xFFFFEFF0  }
0x4d: {  	v3 =	vld [tilespmem:$0xA100]  }
0x4e: {  	v4 =	vld [tilespmem:s15+$0x0];
	_ =	sdelay $0x1  }
0x4f: {  	v2 =	vld [tilespmem:$0xA110];
	_ =	sdelay $0x2  }
0x50: {  	v4 =	vmul.f32 v4, v3;
	_ =	sdelay $0x1  }
0x51: {  	v5 =	vor.u32 s31, v1;
	v4 =	vadd.f32 v4, v2  }
0x52: {  	vm0 =	vgt.u32 v5, v0  }
0x53: {  	s22 =	simm.s32 $0x9080;
	v4 =	vsel vm0, v2, v4  }
0x54: {  	s23 =	sadd.s32 $0x10, s15;
	[tilespmem:s22+$0x0] =	vst v4  }
0x55: {  	s24 =	simm.s32 $0x10;
	s25 =	simm.s32 $0x20;
	v4 =	vld [tilespmem:s23+$0x0]  }
.LBB2_5:
0x56: {  	p2 =	sne.s32 s25, $0x1000;
	_ =	sdelay $0x3  }
0x57: {  	v4 =	vmul.f32 v4, v3;
	_ =	sdelay $0x1  }
.Ltmp4:
0x58: {  	v5 =	vor.u32 s24, v1;
	s24 =	smov.u32 s25;
	v4 =	vadd.f32 v4, v2;
	(pc) =	sbr.rel @p2 .LBB2_5-.Ltmp4, $4  }
0x59: {  	vm0 =	vgt.u32 v5, v0  }
0x5a: {  	s22 =	sadd.s32 $0x10, s22;
	v4 =	vsel vm0, v2, v4  }
0x5b: {  	s23 =	sadd.s32 $0x10, s23;
	[tilespmem:s22+$0x0] =	vst v4  }
0x5c: {  	s25 =	sadd.s32 $0x10, s25;
	v4 =	vld [tilespmem:s23+$0x0]  }
0x5d: {  	_ =	sdelay $0x3  }
0x5e: {  	v3 =	vmul.f32 v4, v3;
	_ =	sdelay $0x1  }
0x5f: {  	v63 =	vor.u32 s24, v1;
	v3 =	vadd.f32 v3, v2  }
0x60: {  	vm0 =	vgt.u32 v63, v0  }
0x61: {  	s22 =	sadd.s32 $0x10, s22;
	v2 =	vsel vm0, v2, v3  }
.Ltmp5:
0x62: {  	[tilespmem:s22+$0x0] =	vst v2;
	(pc) =	sbr.rel @p1 .LBB2_10-.Ltmp5, $4  }
0x63: {  	[hbm4b:s12+s4] =	stream.linear.scatter [tilespmem:s20], [sflag:$0x1], $0x1008, $0x38;
	[tilespmem:$0xA180] =	vst v63  }
0x64: {  	_ =	swait.ge [sflag:s8], $0x1008  }
0x65: {  	[sflag:s8] =	ssyncset.done $0x0  }
0x66: {  	[sflag:s8] =	ssyncadd.s32 $0xFFFFEFF8  }
.LBB2_7:
0x67: {  	s22 =	simm.s32 $0x0  }
0x68: {  	[tilespmem:s17], [sflag:$0x1] =	stream.linear.gather [hbm4b:s7+s22], $0x4000, $0x38;
	[tilespmem:$0xA180] =	vst v63  }
0x69: {  	p2 =	slt.s32 s3, $0x0;
	_ =	swait.ge [sflag:s8], $0x4000  }
0x6a: {  	s22 =	simm.s32 @p2 $0x0;
	[sflag:s8] =	ssyncset.done $0x0  }
0x6b: {  	s23 =	simm.s32 @p2 $0x4000;
	s24 =	sshrl.u32 @!p2 s10, $0x3;
	[sflag:s8] =	ssyncadd.s32 $0xFFFFC000  }
0x6c: {  	[hbm4b:s16+s22] =	stream.linear.scatter @p2 [tilespmem:s23], [sflag:$0x1], $0x4000, $0x38;
	[tilespmem:$0xA180] =	vst v63  }
0x6d: {  	s22 =	sadd.s32 @!p2 s5, s24;
	s24 =	simm.s32 @!p2 $0x0;
	s23 =	simm.s32 @!p2 $0x2  }
0x6e: {  	[tilespmem:s24], [sflag:$0x2] =	stream.linear.gather @!p2 [hbm4b:s22+s24], $0x4000, $0x38;
	[tilespmem:$0xA180] =	vst v63  }
0x6f: {  	_ =	swait.ge @!p2 [sflag:s23], $0x4000  }
0x70: {  	s25 =	sadd.s32 $0x4000, s10;
	[sflag:s23] =	ssyncset.done @!p2 $0x0  }
0x71: {  	s22 =	sadd.s32 $0x800, s16;
	[sflag:s23] =	ssyncadd.s32 @!p2 $0xFFFFC000;
	s23 =	simm.s32 @p2 $0x1  }
0x72: {  	[hbm4b:s16+s24] =	stream.linear.scatter @!p2 [tilespmem:s24], [sflag:$0x2], $0x4000, $0x38;
	[tilespmem:$0xA180] =	vst v63  }
0x73: {  	s24 =	simm.s32 $0x2;
	p2 =	slt.s32 s3, $0x1;
	_ =	swait.ge [sflag:s23], $0x4000  }
.LBB2_8:
0x74: {  	s26 =	simm.s32 @p2 $0x0;
	s28 =	simm.s32 @p2 $0x4000;
	[sflag:s23] =	ssyncset.done $0x0  }
0x75: {  	s29 =	smov.u32 s24;
	s30 =	smov.u32 s22;
	s24 =	sadd.s32 $0x1, s24  }
0x76: {  	s31 =	sshrl.u32 @!p2 s25, $0x3;
	[sflag:s23] =	ssyncadd.s32 $0xFFFFC000;
	s23 =	simm.s32 @!p2 $0x2  }
0x77: {  	[hbm4b:s22+s26] =	stream.linear.scatter @p2 [tilespmem:s28], [sflag:$0x1], $0x4000, $0x38;
	[tilespmem:$0xA180] =	vst v63  }
0x78: {  	p3 =	sne.s32 s24, $0x10;
	s26 =	sadd.s32 @!p2 s5, s31;
	s28 =	simm.s32 @!p2 $0x0  }
0x79: {  	[tilespmem:s28], [sflag:$0x2] =	stream.linear.gather @!p2 [hbm4b:s26+s28], $0x4000, $0x38;
	[tilespmem:$0xA180] =	vst v63  }
.Ltmp6:
0x7a: {  	_ =	swait.ge @!p2 [sflag:s23], $0x4000;
	(pc) =	sbr.rel @p3 .LBB2_8-.Ltmp6, $4  }
0x7b: {  	[sflag:s23] =	ssyncset.done @!p2 $0x0  }
0x7c: {  	s22 =	sadd.s32 $0x800, s22;
	[sflag:s23] =	ssyncadd.s32 @!p2 $0xFFFFC000;
	s23 =	simm.s32 @p2 $0x1  }
0x7d: {  	[hbm4b:s30+s28] =	stream.linear.scatter @!p2 [tilespmem:s28], [sflag:$0x2], $0x4000, $0x38;
	[tilespmem:$0xA180] =	vst v63  }
0x7e: {  	s25 =	sadd.s32 $0x4000, s25;
	p2 =	sgt.s32 s29, s3;
	_ =	swait.ge [sflag:s23], $0x4000  }
0x7f: {  	s24 =	simm.s32 @p2 $0x0;
	[sflag:s23] =	ssyncset.done $0x0  }
0x80: {  	s26 =	simm.s32 @p2 $0x4000;
	s25 =	sshrl.u32 @!p2 s25, $0x3;
	[sflag:s23] =	ssyncadd.s32 $0xFFFFC000  }
0x81: {  	[hbm4b:s22+s24] =	stream.linear.scatter @p2 [tilespmem:s26], [sflag:$0x1], $0x4000, $0x38;
	[tilespmem:$0xA180] =	vst v63  }
0x82: {  	s23 =	sadd.s32 @!p2 s5, s25;
	s25 =	simm.s32 @!p2 $0x2;
	s24 =	simm.s32 @!p2 $0x0  }
0x83: {  	[tilespmem:s24], [sflag:$0x2] =	stream.linear.gather @!p2 [hbm4b:s23+s24], $0x4000, $0x38;
	[tilespmem:$0xA180] =	vst v63  }
0x84: {  	_ =	swait.ge @!p2 [sflag:s25], $0x4000  }
0x85: {  	[sflag:s25] =	ssyncset.done @!p2 $0x0  }
.Ltmp7:
0x86: {  	[sflag:s25] =	ssyncadd.s32 @!p2 $0xFFFFC000;
	s25 =	simm.s32 @p2 $0x1;
	(pc) =	sbr.rel .LBB2_10-.Ltmp7, $4  }
0x87: {  	[hbm4b:s22+s24] =	stream.linear.scatter @!p2 [tilespmem:s24], [sflag:$0x2], $0x4000, $0x38;
	[tilespmem:$0xA180] =	vst v63  }
0x88: {  	_ =	swait.ge [sflag:s25], $0x4000  }
0x89: {  	[sflag:s25] =	ssyncset.done $0x0  }
0x8a: {  	[sflag:s25] =	ssyncadd.s32 $0xFFFFC000  }
.LBB2_11:
0x8b: {  	_ =	sfence.sel $0x180000  }
0x8c: {  	[bflag:$0x0] =	sbarrier.arrive $0xFFFF  }
0x8d: {  	p0 =	sne.s32 s0, $0x0;
	_ =	strace $0x90000047  }
0x8e: {  	s0 =	sadd.s32 @!p0 $0x100000, s2;
	[bflag:$0x2] =	sbarrier.arrive $0xFFFF  }
0x8f: {  	[sflag:s0] =	ssyncadd.tile.s32 @!p0 $0x1;
	_ =	shalt  }
.Lfunc_end2:
_tile_overlayer_lowered:
.L_overlay_start_2:
0x90: {  	(tag) =	ssettag $0x2  }
0x91: {  	s0 =	rddreg [dreg:$0x0];
	s2 =	stileid.u32  }
0x92: {  	s1 =	rddreg [dreg:$0x1];
	p0 =	sne.s32 s2, $0x0  }
0x93: {  	s3 =	rddreg [dreg:$0x2];
	[bflag:$0x3] =	sbarrier.arrive $0xFFFF;
	s2 =	simm.s32 @!p0 $0x1C01  }
0x94: {  	[timem:s3], [sflag:s2] =	dma.local @!p0 [hbm:s0], s1  }
0x95: {  	s0 =	simm.s32 @!p0 $0x1  }
0x96: {  	_ =	swait.ge @!p0 [sflag:s0], s1  }
0x97: {  	s1 =	ssub.s32 @!p0 $0x0, s1;
	[sflag:s0] =	ssyncset.done @!p0 $0x0  }
0x98: {  	[sflag:s0] =	ssyncadd.s32 @!p0 s1  }
0x99: {  	[bflag:$0x3] =	sbarrier.arrive $0xFFFF  }
0x9a: {  	_ =	shalt  }

</sc_bundles>
